<compile_context>
chip_gen: v7x
topology: tpu7x:2x2x1
jax: 0.10.2.dev20260603
libtpu: 0.0.44.dev20260713+nightly
codegen_flags: <defaults>
</compile_context>

<pallas_src>
import functools

import jax
import jax.numpy as jnp
from jax import lax
from jax.experimental import pallas as pl
from jax.experimental.pallas import tpu as pltpu
from jax.experimental.pallas import tpu_sc as plsc

f32 = jnp.float32
i32 = jnp.int32

N_NODES = 10000
N_EDGES = 160000
DIM = 256
HALF = 128
NSUB = 16
CHUNK = 128
ZCHUNK = 200
NZCH = N_NODES // ZCHUNK
NZIT = (NZCH + NSUB - 1) // NSUB

_MESH = plsc.VectorSubcoreMesh(core_axis_name="c", subcore_axis_name="s")


_GCHUNKS_FULL = N_NODES // CHUNK
_GTAIL = N_NODES - _GCHUNKS_FULL * CHUNK


@functools.partial(
    pl.kernel,
    out_type=jax.ShapeDtypeStruct((2, N_NODES, HALF), f32),
    mesh=_MESH,
    scratch_types=[
        pltpu.VMEM((CHUNK,), i32),
        pltpu.VMEM((CHUNK, HALF), f32),
        pltpu.VMEM((_GTAIL,), i32),
        pltpu.VMEM((_GTAIL, HALF), f32),
    ],
)
def _sc_embed(table_hbm, idx_hbm, out_hbm, idx_v, rows_v, tidx_v, trows_v):
    c = lax.axis_index("c")
    s = lax.axis_index("s")

    def step(j, carry):
        cid = s + NSUB * j

        @pl.when(cid < _GCHUNKS_FULL)
        def _():
            base = cid * CHUNK
            pltpu.sync_copy(idx_hbm.at[pl.ds(base, CHUNK)], idx_v)
            pltpu.sync_copy(table_hbm.at[c].at[idx_v], rows_v)
            pltpu.sync_copy(rows_v, out_hbm.at[c].at[pl.ds(base, CHUNK)])

        @pl.when(cid == _GCHUNKS_FULL)
        def _():
            base = _GCHUNKS_FULL * CHUNK
            pltpu.sync_copy(idx_hbm.at[pl.ds(base, _GTAIL)], tidx_v)
            pltpu.sync_copy(table_hbm.at[c].at[tidx_v], trows_v)
            pltpu.sync_copy(trows_v, out_hbm.at[c].at[pl.ds(base, _GTAIL)])
        return carry

    lax.fori_loop(0, (_GCHUNKS_FULL + 1 + NSUB - 1) // NSUB, step, 0)


_ECHUNKS = N_EDGES // CHUNK


@functools.partial(
    pl.kernel,
    out_type=jax.ShapeDtypeStruct((2, N_NODES, HALF), f32),
    mesh=_MESH,
    scratch_types=[
        pltpu.VMEM((CHUNK,), i32),
        pltpu.VMEM((CHUNK,), i32),
        pltpu.VMEM((CHUNK, HALF), f32),
        pltpu.VMEM((ZCHUNK, HALF), f32),
        pltpu.VMEM_SHARED((N_NODES, HALF), f32),
    ],
)
def _sc_edge_agg(h_hbm, src_hbm, dst_hbm, zero_hbm, out_hbm,
                 sidx_v, didx_v, rows_v, stage_v, acc_sh):
    c = lax.axis_index("c")
    s = lax.axis_index("s")

    def zstep(j, carry):
        cid = s + NSUB * j

        @pl.when(cid < NZCH)
        def _():
            r0 = cid * ZCHUNK
            pltpu.sync_copy(zero_hbm.at[pl.ds(r0, ZCHUNK)],
                            acc_sh.at[pl.ds(r0, ZCHUNK)])
        return carry

    lax.fori_loop(0, NZIT, zstep, 0)
    plsc.subcore_barrier()

    def step(j, carry):
        cid = s + NSUB * j

        @pl.when(cid < _ECHUNKS)
        def _():
            base = cid * CHUNK
            pltpu.sync_copy(src_hbm.at[pl.ds(base, CHUNK)], sidx_v)
            pltpu.sync_copy(dst_hbm.at[pl.ds(base, CHUNK)], didx_v)
            pltpu.sync_copy(h_hbm.at[c].at[sidx_v], rows_v)
            pltpu.sync_copy(rows_v, acc_sh.at[didx_v], add=True)
        return carry

    lax.fori_loop(0, (_ECHUNKS + NSUB - 1) // NSUB, step, 0)
    plsc.subcore_barrier()

    def wstep(j, carry):
        cid = s + NSUB * j

        @pl.when(cid < NZCH)
        def _():
            r0 = cid * ZCHUNK
            pltpu.sync_copy(acc_sh.at[pl.ds(r0, ZCHUNK)], stage_v)
            pltpu.sync_copy(stage_v, out_hbm.at[c].at[pl.ds(r0, ZCHUNK)])
        return carry

    lax.fori_loop(0, NZIT, wstep, 0)


@functools.partial(
    pl.kernel,
    out_type=jax.ShapeDtypeStruct((2, 16, HALF), f32),
    mesh=_MESH,
    scratch_types=[
        pltpu.VMEM((16,), i32),
        pltpu.VMEM((16, HALF), f32),
    ],
)
def _sc_roots(x_hbm, roots_hbm, out_hbm, idx_v, rows_v):
    c = lax.axis_index("c")
    s = lax.axis_index("s")

    @pl.when(s == 0)
    def _():
        pltpu.sync_copy(roots_hbm, idx_v)
        pltpu.sync_copy(x_hbm.at[c].at[idx_v], rows_v)
        pltpu.sync_copy(rows_v, out_hbm.at[c])


_ROWS_BLK = 1000


def _tc_proj_body(x_ref, w_ref, b_ref, h_ref):
    y = (jnp.dot(x_ref[0], w_ref[:HALF, :], preferred_element_type=f32,
             precision=lax.Precision.HIGHEST)
         + jnp.dot(x_ref[1], w_ref[HALF:, :], preferred_element_type=f32,
             precision=lax.Precision.HIGHEST)
         + b_ref[0])
    y = jnp.maximum(y, 0.0)
    h_ref[0] = y[:, :HALF]
    h_ref[1] = y[:, HALF:]


def _tc_proj(x, w, b):
    return pl.pallas_call(
        _tc_proj_body,
        grid=(N_NODES // _ROWS_BLK,),
        in_specs=[
            pl.BlockSpec((2, _ROWS_BLK, HALF), lambda i: (0, i, 0)),
            pl.BlockSpec((DIM, DIM), lambda i: (0, 0)),
            pl.BlockSpec((1, DIM), lambda i: (0, 0)),
        ],
        out_specs=pl.BlockSpec((2, _ROWS_BLK, HALF), lambda i: (0, i, 0)),
        out_shape=jax.ShapeDtypeStruct((2, N_NODES, HALF), f32),
    )(x, w, b)


def _tc_lin_body(a_ref, degp_ref, w_ref, b_ref, x_ref):
    deg = degp_ref[0, :, 0]
    scale = 1.0 / jnp.maximum(deg, 1.0)
    a0 = a_ref[0] * scale[:, None]
    a1 = a_ref[1] * scale[:, None]
    y = (jnp.dot(a0, w_ref[:HALF, :], preferred_element_type=f32,
             precision=lax.Precision.HIGHEST)
         + jnp.dot(a1, w_ref[HALF:, :], preferred_element_type=f32,
             precision=lax.Precision.HIGHEST)
         + b_ref[0])
    x_ref[0] = y[:, :HALF]
    x_ref[1] = y[:, HALF:]


def _tc_lin(a, degp, w, b):
    return pl.pallas_call(
        _tc_lin_body,
        grid=(N_NODES // _ROWS_BLK,),
        in_specs=[
            pl.BlockSpec((2, _ROWS_BLK, HALF), lambda i: (0, i, 0)),
            pl.BlockSpec((2, _ROWS_BLK, HALF), lambda i: (0, i, 0)),
            pl.BlockSpec((DIM, DIM), lambda i: (0, 0)),
            pl.BlockSpec((1, DIM), lambda i: (0, 0)),
        ],
        out_specs=pl.BlockSpec((2, _ROWS_BLK, HALF), lambda i: (0, i, 0)),
        out_shape=jax.ShapeDtypeStruct((2, N_NODES, HALF), f32),
    )(a, degp, w, b)


def kernel(node_labels, edges, depths, root_ptrs, emb, W_proj, b_proj, W_l, b_l):
    labels = node_labels.astype(i32)
    src = edges[0].astype(i32)
    dst = edges[1].astype(i32)
    roots = (root_ptrs[1:] - 1).astype(i32)

    emb2 = emb.reshape(-1, 2, HALF).transpose(1, 0, 2)
    zeros_nd = jnp.zeros((N_NODES, HALF), f32)
    b_proj2 = b_proj.reshape(1, DIM)
    b_l2 = b_l.reshape(1, DIM)

    ones_nd = jnp.ones((2, N_NODES, HALF), f32)
    degp = _sc_edge_agg(ones_nd, src, dst, zeros_nd)
    x = _sc_embed(emb2, labels)
    depth = jnp.max(depths)

    def body(_, x):
        h = _tc_proj(x, W_proj, b_proj2)
        agg = _sc_edge_agg(h, src, dst, zeros_nd)
        return _tc_lin(agg, degp, W_l, b_l2)

    x = lax.fori_loop(0, depth, body, x)
    o = _sc_roots(x, roots)
    return jnp.concatenate([o[0], o[1]], axis=-1)

# --- scband reference (transcript-rebuilt; emitter-appended) ---
"""Pipeline reference for scband-encoder-48052094108043 (READ-ONLY COPY).

The authoritative reference and input builder live on the scoring server;
editing this copy changes nothing except your own understanding.
"""

import jax, jax.numpy as jnp
import numpy as np

EMBEDDINGS_CNT = 2000
HIDDEN_DIM = 256
N_NODES = 10000
N_EDGES = 160000
N_GRAPHS = 16


def setup_inputs(seed: int = 0) -> dict:
    key = jax.random.key(seed)
    ks = jax.random.split(key, 8)
    node_labels = jax.random.randint(ks[0], (N_NODES,), 0, EMBEDDINGS_CNT)
    edges = jax.random.randint(ks[1], (2, N_EDGES), 0, N_NODES)
    depths = jax.random.randint(ks[2], (N_GRAPHS,), 0, 4)
    root_ptrs = jnp.sort(jax.random.randint(ks[3], (N_GRAPHS + 1,), 1, N_NODES + 1))
    scale = 1.0 / np.sqrt(HIDDEN_DIM)
    emb = jax.random.normal(ks[4], (EMBEDDINGS_CNT, HIDDEN_DIM), dtype=jnp.float32)
    W_proj = jax.random.normal(ks[5], (HIDDEN_DIM, HIDDEN_DIM), dtype=jnp.float32) * scale
    b_proj = jnp.zeros((HIDDEN_DIM,), dtype=jnp.float32)
    W_l = jax.random.normal(ks[6], (HIDDEN_DIM, HIDDEN_DIM), dtype=jnp.float32) * scale
    b_l = jnp.zeros((HIDDEN_DIM,), dtype=jnp.float32)
    return {
        'node_labels': node_labels,
        'edges': edges,
        'depths': depths,
        'root_ptrs': root_ptrs,
        'emb': emb,
        'W_proj': W_proj,
        'b_proj': b_proj,
        'W_l': W_l,
        'b_l': b_l,
    }


def reference(node_labels, edges, depths, root_ptrs, emb, W_proj, b_proj, W_l, b_l):
    # Embedding lookup (nn.Embedding)
    x = jnp.take(emb, node_labels, axis=0)
    # Unrolled message-passing depth (depths.max() in torch)
    depth = jnp.max(depths)
    src = edges[0]
    dst = edges[1]
    n = x.shape[0]
    # in-degree for mean aggregation (dst receives messages from src)
    deg = jnp.zeros((n,), dtype=jnp.float32).at[dst].add(1.0)
    deg = jnp.maximum(deg, 1.0)[:, None]

    def body(_, x):
        # SAGEConv with project=True, root_weight=False, aggr='mean':
        # h = relu(lin_proj(x)); out = lin_l(mean_j h_j)
        h = jax.nn.relu(x @ W_proj + b_proj)
        msg = jnp.take(h, src, axis=0)
        agg = jnp.zeros((n, h.shape[1]), dtype=h.dtype).at[dst].add(msg) / deg
        return agg @ W_l + b_l

    x = jax.lax.fori_loop(0, depth, body, x)
    # pick root node of each graph: node_features[root_ptrs[1:] - 1]
    return jnp.take(x, root_ptrs[1:] - 1, axis=0)

if __name__ == "__main__":
    import jax
    _d = setup_inputs()
    print(jax.jit(kernel)(*tuple(_d.values())))

</pallas_src>

<mosaic_0001>
#map = affine_map<(d0, d1) -> (0, 0, 0)>
#map1 = affine_map<(d0, d1) -> (0)>
#map2 = affine_map<(d0, d1) -> (0, 0)>
module attributes {stable_mosaic.version = 14 : i64} {
  func.func @_sc_edge_agg(%arg0: i32, %arg1: i32, %arg2: memref<2x10000x128xf32, #tpu.memory_space<hbm>>, %arg3: memref<160000xi32, #tpu.memory_space<hbm>>, %arg4: memref<160000xi32, #tpu.memory_space<hbm>>, %arg5: memref<10000x128xf32, #tpu.memory_space<hbm>>, %arg6: memref<2x10000x128xf32, #tpu.memory_space<hbm>>, %arg7: memref<128xi32, #tpu.memory_space<vmem>>, %arg8: memref<128xi32, #tpu.memory_space<vmem>>, %arg9: memref<128x128xf32, #tpu.memory_space<vmem>>, %arg10: memref<200x128xf32, #tpu.memory_space<vmem>>, %arg11: memref<10000x128xf32, #tpu.memory_space<vmem_shared>>) attributes {dimension_semantics = [#tpu.dimension_semantics<core_parallel>, #tpu.dimension_semantics<subcore_parallel>], iteration_bounds = array<i64: 2, 16>, scalar_prefetch = 0 : i64, scratch_operands = 5 : i64, tpu.core_type = #tpu.core_type<sc_vector_subcore>, window_params = [{transform_indices = #map}, {transform_indices = #map1}, {transform_indices = #map1}, {transform_indices = #map2}, {transform_indices = #map}]} {
    %scan3A = arith.constant 0 : i32
    %scan3A_0 = arith.constant 0 : i32
    %scan3A_1 = arith.constant 4 : i32
    %scan3A_2 = arith.addi %scan3A_0, %scan3A_1 : i32
    %scan3A_3 = arith.constant 1 : i32
    scf.for %scan3A_18 = %scan3A_0 to %scan3A_2 step %scan3A_3  : i32 {
      %mul3A = arith.constant 16 : i32
      %mul3A_19 = arith.muli %mul3A, %scan3A_18 : i32
      %add3A = arith.addi %arg1, %mul3A_19 : i32
      %lt3A = arith.constant 50 : i32
      %lt3A_20 = arith.cmpi slt, %add3A, %lt3A : i32
      %convert_element_type3A = arith.extui %lt3A_20 : i1 to i32
      %cond3A = arith.constant 0 : i32
      %cond3A_21 = arith.cmpi ne, %convert_element_type3A, %cond3A : i32
      scf.if %cond3A_21 {
        %mul3A_22 = arith.constant 200 : i32
        %mul3A_23 = arith.muli %add3A, %mul3A_22 : i32
        "tpu.region"() ({
          %run_scoped3A = tpu.sem_alloc : memref<!tpu.dma_semaphore, #tpu.memory_space<semaphore_mem>>
          %dma_start3A = arith.constant 0 : i32
          %dma_start3A_24 = tpu.memref_slice %arg11[%mul3A_23, %dma_start3A] : memref<10000x128xf32, #tpu.memory_space<vmem_shared>> -> memref<200x128xf32, #tpu.memory_space<vmem_shared>>
          %dma_start3A_25 = arith.constant 0 : i32
          %dma_start3A_26 = tpu.memref_slice %arg5[%mul3A_23, %dma_start3A_25] : memref<10000x128xf32, #tpu.memory_space<hbm>> -> memref<200x128xf32, #tpu.memory_space<hbm>>
          tpu.enqueue_dma source(%dma_start3A_26 : memref<200x128xf32, #tpu.memory_space<hbm>>) target(%dma_start3A_24 : memref<200x128xf32, #tpu.memory_space<vmem_shared>>) target_semaphore(%run_scoped3A : memref<!tpu.dma_semaphore, #tpu.memory_space<semaphore_mem>>)
          %dma_wait3A = arith.constant 0 : i32
          %dma_wait3A_27 = tpu.memref_slice %arg11[%mul3A_23, %dma_wait3A] : memref<10000x128xf32, #tpu.memory_space<vmem_shared>> -> memref<200x128xf32, #tpu.memory_space<vmem_shared>>
          %dma_wait3A_28 = arith.constant 0 : i32
          %dma_wait3A_29 = tpu.memref_slice %arg5[%mul3A_23, %dma_wait3A_28] : memref<10000x128xf32, #tpu.memory_space<hbm>> -> memref<200x128xf32, #tpu.memory_space<hbm>>
          tpu.wait_dma2 semaphore(%run_scoped3A : memref<!tpu.dma_semaphore, #tpu.memory_space<semaphore_mem>>) src(%dma_wait3A_29 : memref<200x128xf32, #tpu.memory_space<hbm>>) dst(%dma_wait3A_27 : memref<200x128xf32, #tpu.memory_space<vmem_shared>>)
          tpu.yield
        }) : () -> ()
      } else {
      }
    }
    %scan3A_4 = arith.constant 4 : i32
    %barrier3A = arith.constant 0 : index
    tpu.barrier barrier_id(%barrier3A)
    %scan3A_5 = arith.constant 0 : i32
    %scan3A_6 = arith.constant 0 : i32
    %scan3A_7 = arith.constant 79 : i32
    %scan3A_8 = arith.addi %scan3A_6, %scan3A_7 : i32
    %scan3A_9 = arith.constant 1 : i32
    scf.for %scan3A_18 = %scan3A_6 to %scan3A_8 step %scan3A_9  : i32 {
      %mul3A = arith.constant 16 : i32
      %mul3A_19 = arith.muli %mul3A, %scan3A_18 : i32
      %add3A = arith.addi %arg1, %mul3A_19 : i32
      %lt3A = arith.constant 1250 : i32
      %lt3A_20 = arith.cmpi slt, %add3A, %lt3A : i32
      %convert_element_type3A = arith.extui %lt3A_20 : i1 to i32
      %cond3A = arith.constant 0 : i32
      %cond3A_21 = arith.cmpi ne, %convert_element_type3A, %cond3A : i32
      scf.if %cond3A_21 {
        %mul3A_22 = arith.constant 128 : i32
        %mul3A_23 = arith.muli %add3A, %mul3A_22 : i32
        "tpu.region"() ({
          %run_scoped3A = tpu.sem_alloc : memref<!tpu.dma_semaphore, #tpu.memory_space<semaphore_mem>>
          %dma_start3A = tpu.memref_slice %arg3[%mul3A_23] : memref<160000xi32, #tpu.memory_space<hbm>> -> memref<128xi32, #tpu.memory_space<hbm>>
          %dma_start3A_24 = tpu.memref_slice %arg3[%mul3A_23] : memref<160000xi32, #tpu.memory_space<hbm>> -> memref<128xi32, #tpu.memory_space<hbm>>
          tpu.enqueue_dma source(%dma_start3A_24 : memref<128xi32, #tpu.memory_space<hbm>>) target(%arg7 : memref<128xi32, #tpu.memory_space<vmem>>) target_semaphore(%run_scoped3A : memref<!tpu.dma_semaphore, #tpu.memory_space<semaphore_mem>>)
          %dma_wait3A = tpu.memref_slice %arg3[%mul3A_23] : memref<160000xi32, #tpu.memory_space<hbm>> -> memref<128xi32, #tpu.memory_space<hbm>>
          %dma_wait3A_25 = tpu.memref_slice %arg3[%mul3A_23] : memref<160000xi32, #tpu.memory_space<hbm>> -> memref<128xi32, #tpu.memory_space<hbm>>
          tpu.wait_dma2 semaphore(%run_scoped3A : memref<!tpu.dma_semaphore, #tpu.memory_space<semaphore_mem>>) src(%dma_wait3A_25 : memref<128xi32, #tpu.memory_space<hbm>>) dst(%arg7 : memref<128xi32, #tpu.memory_space<vmem>>)
          tpu.yield
        }) : () -> ()
        "tpu.region"() ({
          %run_scoped3A = tpu.sem_alloc : memref<!tpu.dma_semaphore, #tpu.memory_space<semaphore_mem>>
          %dma_start3A = tpu.memref_slice %arg4[%mul3A_23] : memref<160000xi32, #tpu.memory_space<hbm>> -> memref<128xi32, #tpu.memory_space<hbm>>
          %dma_start3A_24 = tpu.memref_slice %arg4[%mul3A_23] : memref<160000xi32, #tpu.memory_space<hbm>> -> memref<128xi32, #tpu.memory_space<hbm>>
          tpu.enqueue_dma source(%dma_start3A_24 : memref<128xi32, #tpu.memory_space<hbm>>) target(%arg8 : memref<128xi32, #tpu.memory_space<vmem>>) target_semaphore(%run_scoped3A : memref<!tpu.dma_semaphore, #tpu.memory_space<semaphore_mem>>)
          %dma_wait3A = tpu.memref_slice %arg4[%mul3A_23] : memref<160000xi32, #tpu.memory_space<hbm>> -> memref<128xi32, #tpu.memory_space<hbm>>
          %dma_wait3A_25 = tpu.memref_slice %arg4[%mul3A_23] : memref<160000xi32, #tpu.memory_space<hbm>> -> memref<128xi32, #tpu.memory_space<hbm>>
          tpu.wait_dma2 semaphore(%run_scoped3A : memref<!tpu.dma_semaphore, #tpu.memory_space<semaphore_mem>>) src(%dma_wait3A_25 : memref<128xi32, #tpu.memory_space<hbm>>) dst(%arg8 : memref<128xi32, #tpu.memory_space<vmem>>)
          tpu.yield
        }) : () -> ()
        "tpu.region"() ({
          %run_scoped3A = tpu.sem_alloc : memref<!tpu.dma_semaphore, #tpu.memory_space<semaphore_mem>>
          %dma_start3A = arith.constant 0 : i32
          %dma_start3A_24 = arith.constant 0 : i32
          %dma_start3A_25 = tpu.memref_slice %arg2[%arg0, %dma_start3A, %dma_start3A_24] : memref<2x10000x128xf32, #tpu.memory_space<hbm>> -> memref<1x10000x128xf32, #tpu.memory_space<hbm>>
          %dma_start3A_26 = tpu.memref_squeeze %dma_start3A_25 : memref<1x10000x128xf32, #tpu.memory_space<hbm>> -> memref<10000x128xf32, #tpu.memory_space<hbm>>
          %dma_start3A_27 = arith.constant 0 : i32
          %dma_start3A_28 = arith.constant 0 : i32
          %dma_start3A_29 = tpu.memref_slice %dma_start3A_26[%dma_start3A_27, %dma_start3A_28] : memref<10000x128xf32, #tpu.memory_space<hbm>> -> memref<10000x128xf32, #tpu.memory_space<hbm>>
          tpu.enqueue_indirect_dma source(%dma_start3A_29 : memref<10000x128xf32, #tpu.memory_space<hbm>>) target(%arg9 : memref<128x128xf32, #tpu.memory_space<vmem>>) offsets(%arg7 : memref<128xi32, #tpu.memory_space<vmem>>) semaphore(%run_scoped3A : memref<!tpu.dma_semaphore, #tpu.memory_space<semaphore_mem>>)
          %dma_wait3A = arith.constant 0 : i32
          %dma_wait3A_30 = arith.constant 0 : i32
          %dma_wait3A_31 = tpu.memref_slice %arg2[%arg0, %dma_wait3A, %dma_wait3A_30] : memref<2x10000x128xf32, #tpu.memory_space<hbm>> -> memref<1x10000x128xf32, #tpu.memory_space<hbm>>
          %dma_wait3A_32 = tpu.memref_squeeze %dma_wait3A_31 : memref<1x10000x128xf32, #tpu.memory_space<hbm>> -> memref<10000x128xf32, #tpu.memory_space<hbm>>
          %dma_wait3A_33 = arith.constant 0 : i32
          %dma_wait3A_34 = arith.constant 0 : i32
          %dma_wait3A_35 = tpu.memref_slice %dma_wait3A_32[%dma_wait3A_33, %dma_wait3A_34] : memref<10000x128xf32, #tpu.memory_space<hbm>> -> memref<10000x128xf32, #tpu.memory_space<hbm>>
          tpu.wait_indirect_dma semaphore(%run_scoped3A : memref<!tpu.dma_semaphore, #tpu.memory_space<semaphore_mem>>) src(%dma_wait3A_35 : memref<10000x128xf32, #tpu.memory_space<hbm>>) dst(%arg9 : memref<128x128xf32, #tpu.memory_space<vmem>>)
          tpu.yield
        }) : () -> ()
        "tpu.region"() ({
          %run_scoped3A = tpu.sem_alloc : memref<!tpu.dma_semaphore, #tpu.memory_space<semaphore_mem>>
          %dma_start3A = arith.constant 0 : i32
          %dma_start3A_24 = arith.constant 0 : i32
          %dma_start3A_25 = tpu.memref_slice %arg11[%dma_start3A, %dma_start3A_24] : memref<10000x128xf32, #tpu.memory_space<vmem_shared>> -> memref<10000x128xf32, #tpu.memory_space<vmem_shared>>
          tpu.enqueue_indirect_dma source(%arg9 : memref<128x128xf32, #tpu.memory_space<vmem>>) target(%dma_start3A_25 : memref<10000x128xf32, #tpu.memory_space<vmem_shared>>) offsets(%arg8 : memref<128xi32, #tpu.memory_space<vmem>>) semaphore(%run_scoped3A : memref<!tpu.dma_semaphore, #tpu.memory_space<semaphore_mem>>) {add = true}
          %dma_wait3A = arith.constant 0 : i32
          %dma_wait3A_26 = arith.constant 0 : i32
          %dma_wait3A_27 = tpu.memref_slice %arg11[%dma_wait3A, %dma_wait3A_26] : memref<10000x128xf32, #tpu.memory_space<vmem_shared>> -> memref<10000x128xf32, #tpu.memory_space<vmem_shared>>
          tpu.wait_indirect_dma semaphore(%run_scoped3A : memref<!tpu.dma_semaphore, #tpu.memory_space<semaphore_mem>>) src(%arg9 : memref<128x128xf32, #tpu.memory_space<vmem>>) dst(%dma_wait3A_27 : memref<10000x128xf32, #tpu.memory_space<vmem_shared>>)
          tpu.yield
        }) : () -> ()
      } else {
      }
    }
    %scan3A_10 = arith.constant 79 : i32
    %barrier3A_11 = arith.constant 0 : index
    tpu.barrier barrier_id(%barrier3A_11)
    %scan3A_12 = arith.constant 0 : i32
    %scan3A_13 = arith.constant 0 : i32
    %scan3A_14 = arith.constant 4 : i32
    %scan3A_15 = arith.addi %scan3A_13, %scan3A_14 : i32
    %scan3A_16 = arith.constant 1 : i32
    scf.for %scan3A_18 = %scan3A_13 to %scan3A_15 step %scan3A_16  : i32 {
      %mul3A = arith.constant 16 : i32
      %mul3A_19 = arith.muli %mul3A, %scan3A_18 : i32
      %add3A = arith.addi %arg1, %mul3A_19 : i32
      %lt3A = arith.constant 50 : i32
      %lt3A_20 = arith.cmpi slt, %add3A, %lt3A : i32
      %convert_element_type3A = arith.extui %lt3A_20 : i1 to i32
      %cond3A = arith.constant 0 : i32
      %cond3A_21 = arith.cmpi ne, %convert_element_type3A, %cond3A : i32
      scf.if %cond3A_21 {
        %mul3A_22 = arith.constant 200 : i32
        %mul3A_23 = arith.muli %add3A, %mul3A_22 : i32
        "tpu.region"() ({
          %run_scoped3A = tpu.sem_alloc : memref<!tpu.dma_semaphore, #tpu.memory_space<semaphore_mem>>
          %dma_start3A = arith.constant 0 : i32
          %dma_start3A_24 = tpu.memref_slice %arg11[%mul3A_23, %dma_start3A] : memref<10000x128xf32, #tpu.memory_space<vmem_shared>> -> memref<200x128xf32, #tpu.memory_space<vmem_shared>>
          %dma_start3A_25 = arith.constant 0 : i32
          %dma_start3A_26 = tpu.memref_slice %arg11[%mul3A_23, %dma_start3A_25] : memref<10000x128xf32, #tpu.memory_space<vmem_shared>> -> memref<200x128xf32, #tpu.memory_space<vmem_shared>>
          tpu.enqueue_dma source(%dma_start3A_26 : memref<200x128xf32, #tpu.memory_space<vmem_shared>>) target(%arg10 : memref<200x128xf32, #tpu.memory_space<vmem>>) target_semaphore(%run_scoped3A : memref<!tpu.dma_semaphore, #tpu.memory_space<semaphore_mem>>)
          %dma_wait3A = arith.constant 0 : i32
          %dma_wait3A_27 = tpu.memref_slice %arg11[%mul3A_23, %dma_wait3A] : memref<10000x128xf32, #tpu.memory_space<vmem_shared>> -> memref<200x128xf32, #tpu.memory_space<vmem_shared>>
          %dma_wait3A_28 = arith.constant 0 : i32
          %dma_wait3A_29 = tpu.memref_slice %arg11[%mul3A_23, %dma_wait3A_28] : memref<10000x128xf32, #tpu.memory_space<vmem_shared>> -> memref<200x128xf32, #tpu.memory_space<vmem_shared>>
          tpu.wait_dma2 semaphore(%run_scoped3A : memref<!tpu.dma_semaphore, #tpu.memory_space<semaphore_mem>>) src(%dma_wait3A_29 : memref<200x128xf32, #tpu.memory_space<vmem_shared>>) dst(%arg10 : memref<200x128xf32, #tpu.memory_space<vmem>>)
          tpu.yield
        }) : () -> ()
        "tpu.region"() ({
          %run_scoped3A = tpu.sem_alloc : memref<!tpu.dma_semaphore, #tpu.memory_space<semaphore_mem>>
          %dma_start3A = arith.constant 0 : i32
          %dma_start3A_24 = arith.constant 0 : i32
          %dma_start3A_25 = tpu.memref_slice %arg6[%arg0, %dma_start3A, %dma_start3A_24] : memref<2x10000x128xf32, #tpu.memory_space<hbm>> -> memref<1x10000x128xf32, #tpu.memory_space<hbm>>
          %dma_start3A_26 = tpu.memref_squeeze %dma_start3A_25 : memref<1x10000x128xf32, #tpu.memory_space<hbm>> -> memref<10000x128xf32, #tpu.memory_space<hbm>>
          %dma_start3A_27 = arith.constant 0 : i32
          %dma_start3A_28 = tpu.memref_slice %dma_start3A_26[%mul3A_23, %dma_start3A_27] : memref<10000x128xf32, #tpu.memory_space<hbm>> -> memref<200x128xf32, #tpu.memory_space<hbm>>
          %dma_start3A_29 = arith.constant 0 : i32
          %dma_start3A_30 = arith.constant 0 : i32
          %dma_start3A_31 = tpu.memref_slice %arg6[%arg0, %dma_start3A_29, %dma_start3A_30] : memref<2x10000x128xf32, #tpu.memory_space<hbm>> -> memref<1x10000x128xf32, #tpu.memory_space<hbm>>
          %dma_start3A_32 = tpu.memref_squeeze %dma_start3A_31 : memref<1x10000x128xf32, #tpu.memory_space<hbm>> -> memref<10000x128xf32, #tpu.memory_space<hbm>>
          %dma_start3A_33 = arith.constant 0 : i32
          %dma_start3A_34 = tpu.memref_slice %dma_start3A_32[%mul3A_23, %dma_start3A_33] : memref<10000x128xf32, #tpu.memory_space<hbm>> -> memref<200x128xf32, #tpu.memory_space<hbm>>
          tpu.enqueue_dma source(%arg10 : memref<200x128xf32, #tpu.memory_space<vmem>>) target(%dma_start3A_34 : memref<200x128xf32, #tpu.memory_space<hbm>>) target_semaphore(%run_scoped3A : memref<!tpu.dma_semaphore, #tpu.memory_space<semaphore_mem>>)
          %dma_wait3A = arith.constant 0 : i32
          %dma_wait3A_35 = arith.constant 0 : i32
          %dma_wait3A_36 = tpu.memref_slice %arg6[%arg0, %dma_wait3A, %dma_wait3A_35] : memref<2x10000x128xf32, #tpu.memory_space<hbm>> -> memref<1x10000x128xf32, #tpu.memory_space<hbm>>
          %dma_wait3A_37 = tpu.memref_squeeze %dma_wait3A_36 : memref<1x10000x128xf32, #tpu.memory_space<hbm>> -> memref<10000x128xf32, #tpu.memory_space<hbm>>
          %dma_wait3A_38 = arith.constant 0 : i32
          %dma_wait3A_39 = tpu.memref_slice %dma_wait3A_37[%mul3A_23, %dma_wait3A_38] : memref<10000x128xf32, #tpu.memory_space<hbm>> -> memref<200x128xf32, #tpu.memory_space<hbm>>
          %dma_wait3A_40 = arith.constant 0 : i32
          %dma_wait3A_41 = arith.constant 0 : i32
          %dma_wait3A_42 = tpu.memref_slice %arg6[%arg0, %dma_wait3A_40, %dma_wait3A_41] : memref<2x10000x128xf32, #tpu.memory_space<hbm>> -> memref<1x10000x128xf32, #tpu.memory_space<hbm>>
          %dma_wait3A_43 = tpu.memref_squeeze %dma_wait3A_42 : memref<1x10000x128xf32, #tpu.memory_space<hbm>> -> memref<10000x128xf32, #tpu.memory_space<hbm>>
          %dma_wait3A_44 = arith.constant 0 : i32
          %dma_wait3A_45 = tpu.memref_slice %dma_wait3A_43[%mul3A_23, %dma_wait3A_44] : memref<10000x128xf32, #tpu.memory_space<hbm>> -> memref<200x128xf32, #tpu.memory_space<hbm>>
          tpu.wait_dma2 semaphore(%run_scoped3A : memref<!tpu.dma_semaphore, #tpu.memory_space<semaphore_mem>>) src(%arg10 : memref<200x128xf32, #tpu.memory_space<vmem>>) dst(%dma_wait3A_45 : memref<200x128xf32, #tpu.memory_space<hbm>>)
          tpu.yield
        }) : () -> ()
      } else {
      }
    }
    %scan3A_17 = arith.constant 4 : i32
    return
  }
}

#map = affine_map<(d0, d1) -> (0, 0, 0)>
#map1 = affine_map<(d0, d1) -> (0)>
module attributes {stable_mosaic.version = 14 : i64} {
  func.func @_sc_embed(%arg0: i32, %arg1: i32, %arg2: memref<2x2000x128xf32, #tpu.memory_space<hbm>>, %arg3: memref<10000xi32, #tpu.memory_space<hbm>>, %arg4: memref<2x10000x128xf32, #tpu.memory_space<hbm>>, %arg5: memref<128xi32, #tpu.memory_space<vmem>>, %arg6: memref<128x128xf32, #tpu.memory_space<vmem>>, %arg7: memref<16xi32, #tpu.memory_space<vmem>>, %arg8: memref<16x128xf32, #tpu.memory_space<vmem>>) attributes {dimension_semantics = [#tpu.dimension_semantics<core_parallel>, #tpu.dimension_semantics<subcore_parallel>], iteration_bounds = array<i64: 2, 16>, scalar_prefetch = 0 : i64, scratch_operands = 4 : i64, tpu.core_type = #tpu.core_type<sc_vector_subcore>, window_params = [{transform_indices = #map}, {transform_indices = #map1}, {transform_indices = #map}]} {
    %scan3A = arith.constant 0 : i32
    %scan3A_0 = arith.constant 0 : i32
    %scan3A_1 = arith.constant 5 : i32
    %scan3A_2 = arith.addi %scan3A_0, %scan3A_1 : i32
    %scan3A_3 = arith.constant 1 : i32
    scf.for %scan3A_5 = %scan3A_0 to %scan3A_2 step %scan3A_3  : i32 {
      %mul3A = arith.constant 16 : i32
      %mul3A_6 = arith.muli %mul3A, %scan3A_5 : i32
      %add3A = arith.addi %arg1, %mul3A_6 : i32
      %lt3A = arith.constant 78 : i32
      %lt3A_7 = arith.cmpi slt, %add3A, %lt3A : i32
      %convert_element_type3A = arith.extui %lt3A_7 : i1 to i32
      %cond3A = arith.constant 0 : i32
      %cond3A_8 = arith.cmpi ne, %convert_element_type3A, %cond3A : i32
      scf.if %cond3A_8 {
        %mul3A_13 = arith.constant 128 : i32
        %mul3A_14 = arith.muli %add3A, %mul3A_13 : i32
        "tpu.region"() ({
          %run_scoped3A = tpu.sem_alloc : memref<!tpu.dma_semaphore, #tpu.memory_space<semaphore_mem>>
          %dma_start3A = tpu.memref_slice %arg3[%mul3A_14] : memref<10000xi32, #tpu.memory_space<hbm>> -> memref<128xi32, #tpu.memory_space<hbm>>
          %dma_start3A_15 = tpu.memref_slice %arg3[%mul3A_14] : memref<10000xi32, #tpu.memory_space<hbm>> -> memref<128xi32, #tpu.memory_space<hbm>>
          tpu.enqueue_dma source(%dma_start3A_15 : memref<128xi32, #tpu.memory_space<hbm>>) target(%arg5 : memref<128xi32, #tpu.memory_space<vmem>>) target_semaphore(%run_scoped3A : memref<!tpu.dma_semaphore, #tpu.memory_space<semaphore_mem>>)
          %dma_wait3A = tpu.memref_slice %arg3[%mul3A_14] : memref<10000xi32, #tpu.memory_space<hbm>> -> memref<128xi32, #tpu.memory_space<hbm>>
          %dma_wait3A_16 = tpu.memref_slice %arg3[%mul3A_14] : memref<10000xi32, #tpu.memory_space<hbm>> -> memref<128xi32, #tpu.memory_space<hbm>>
          tpu.wait_dma2 semaphore(%run_scoped3A : memref<!tpu.dma_semaphore, #tpu.memory_space<semaphore_mem>>) src(%dma_wait3A_16 : memref<128xi32, #tpu.memory_space<hbm>>) dst(%arg5 : memref<128xi32, #tpu.memory_space<vmem>>)
          tpu.yield
        }) : () -> ()
        "tpu.region"() ({
          %run_scoped3A = tpu.sem_alloc : memref<!tpu.dma_semaphore, #tpu.memory_space<semaphore_mem>>
          %dma_start3A = arith.constant 0 : i32
          %dma_start3A_15 = arith.constant 0 : i32
          %dma_start3A_16 = tpu.memref_slice %arg2[%arg0, %dma_start3A, %dma_start3A_15] : memref<2x2000x128xf32, #tpu.memory_space<hbm>> -> memref<1x2000x128xf32, #tpu.memory_space<hbm>>
          %dma_start3A_17 = tpu.memref_squeeze %dma_start3A_16 : memref<1x2000x128xf32, #tpu.memory_space<hbm>> -> memref<2000x128xf32, #tpu.memory_space<hbm>>
          %dma_start3A_18 = arith.constant 0 : i32
          %dma_start3A_19 = arith.constant 0 : i32
          %dma_start3A_20 = tpu.memref_slice %dma_start3A_17[%dma_start3A_18, %dma_start3A_19] : memref<2000x128xf32, #tpu.memory_space<hbm>> -> memref<2000x128xf32, #tpu.memory_space<hbm>>
          tpu.enqueue_indirect_dma source(%dma_start3A_20 : memref<2000x128xf32, #tpu.memory_space<hbm>>) target(%arg6 : memref<128x128xf32, #tpu.memory_space<vmem>>) offsets(%arg5 : memref<128xi32, #tpu.memory_space<vmem>>) semaphore(%run_scoped3A : memref<!tpu.dma_semaphore, #tpu.memory_space<semaphore_mem>>)
          %dma_wait3A = arith.constant 0 : i32
          %dma_wait3A_21 = arith.constant 0 : i32
          %dma_wait3A_22 = tpu.memref_slice %arg2[%arg0, %dma_wait3A, %dma_wait3A_21] : memref<2x2000x128xf32, #tpu.memory_space<hbm>> -> memref<1x2000x128xf32, #tpu.memory_space<hbm>>
          %dma_wait3A_23 = tpu.memref_squeeze %dma_wait3A_22 : memref<1x2000x128xf32, #tpu.memory_space<hbm>> -> memref<2000x128xf32, #tpu.memory_space<hbm>>
          %dma_wait3A_24 = arith.constant 0 : i32
          %dma_wait3A_25 = arith.constant 0 : i32
          %dma_wait3A_26 = tpu.memref_slice %dma_wait3A_23[%dma_wait3A_24, %dma_wait3A_25] : memref<2000x128xf32, #tpu.memory_space<hbm>> -> memref<2000x128xf32, #tpu.memory_space<hbm>>
          tpu.wait_indirect_dma semaphore(%run_scoped3A : memref<!tpu.dma_semaphore, #tpu.memory_space<semaphore_mem>>) src(%dma_wait3A_26 : memref<2000x128xf32, #tpu.memory_space<hbm>>) dst(%arg6 : memref<128x128xf32, #tpu.memory_space<vmem>>)
          tpu.yield
        }) : () -> ()
        "tpu.region"() ({
          %run_scoped3A = tpu.sem_alloc : memref<!tpu.dma_semaphore, #tpu.memory_space<semaphore_mem>>
          %dma_start3A = arith.constant 0 : i32
          %dma_start3A_15 = arith.constant 0 : i32
          %dma_start3A_16 = tpu.memref_slice %arg4[%arg0, %dma_start3A, %dma_start3A_15] : memref<2x10000x128xf32, #tpu.memory_space<hbm>> -> memref<1x10000x128xf32, #tpu.memory_space<hbm>>
          %dma_start3A_17 = tpu.memref_squeeze %dma_start3A_16 : memref<1x10000x128xf32, #tpu.memory_space<hbm>> -> memref<10000x128xf32, #tpu.memory_space<hbm>>
          %dma_start3A_18 = arith.constant 0 : i32
          %dma_start3A_19 = tpu.memref_slice %dma_start3A_17[%mul3A_14, %dma_start3A_18] : memref<10000x128xf32, #tpu.memory_space<hbm>> -> memref<128x128xf32, #tpu.memory_space<hbm>>
          %dma_start3A_20 = arith.constant 0 : i32
          %dma_start3A_21 = arith.constant 0 : i32
          %dma_start3A_22 = tpu.memref_slice %arg4[%arg0, %dma_start3A_20, %dma_start3A_21] : memref<2x10000x128xf32, #tpu.memory_space<hbm>> -> memref<1x10000x128xf32, #tpu.memory_space<hbm>>
          %dma_start3A_23 = tpu.memref_squeeze %dma_start3A_22 : memref<1x10000x128xf32, #tpu.memory_space<hbm>> -> memref<10000x128xf32, #tpu.memory_space<hbm>>
          %dma_start3A_24 = arith.constant 0 : i32
          %dma_start3A_25 = tpu.memref_slice %dma_start3A_23[%mul3A_14, %dma_start3A_24] : memref<10000x128xf32, #tpu.memory_space<hbm>> -> memref<128x128xf32, #tpu.memory_space<hbm>>
          tpu.enqueue_dma source(%arg6 : memref<128x128xf32, #tpu.memory_space<vmem>>) target(%dma_start3A_25 : memref<128x128xf32, #tpu.memory_space<hbm>>) target_semaphore(%run_scoped3A : memref<!tpu.dma_semaphore, #tpu.memory_space<semaphore_mem>>)
          %dma_wait3A = arith.constant 0 : i32
          %dma_wait3A_26 = arith.constant 0 : i32
          %dma_wait3A_27 = tpu.memref_slice %arg4[%arg0, %dma_wait3A, %dma_wait3A_26] : memref<2x10000x128xf32, #tpu.memory_space<hbm>> -> memref<1x10000x128xf32, #tpu.memory_space<hbm>>
          %dma_wait3A_28 = tpu.memref_squeeze %dma_wait3A_27 : memref<1x10000x128xf32, #tpu.memory_space<hbm>> -> memref<10000x128xf32, #tpu.memory_space<hbm>>
          %dma_wait3A_29 = arith.constant 0 : i32
          %dma_wait3A_30 = tpu.memref_slice %dma_wait3A_28[%mul3A_14, %dma_wait3A_29] : memref<10000x128xf32, #tpu.memory_space<hbm>> -> memref<128x128xf32, #tpu.memory_space<hbm>>
          %dma_wait3A_31 = arith.constant 0 : i32
          %dma_wait3A_32 = arith.constant 0 : i32
          %dma_wait3A_33 = tpu.memref_slice %arg4[%arg0, %dma_wait3A_31, %dma_wait3A_32] : memref<2x10000x128xf32, #tpu.memory_space<hbm>> -> memref<1x10000x128xf32, #tpu.memory_space<hbm>>
          %dma_wait3A_34 = tpu.memref_squeeze %dma_wait3A_33 : memref<1x10000x128xf32, #tpu.memory_space<hbm>> -> memref<10000x128xf32, #tpu.memory_space<hbm>>
          %dma_wait3A_35 = arith.constant 0 : i32
          %dma_wait3A_36 = tpu.memref_slice %dma_wait3A_34[%mul3A_14, %dma_wait3A_35] : memref<10000x128xf32, #tpu.memory_space<hbm>> -> memref<128x128xf32, #tpu.memory_space<hbm>>
          tpu.wait_dma2 semaphore(%run_scoped3A : memref<!tpu.dma_semaphore, #tpu.memory_space<semaphore_mem>>) src(%arg6 : memref<128x128xf32, #tpu.memory_space<vmem>>) dst(%dma_wait3A_36 : memref<128x128xf32, #tpu.memory_space<hbm>>)
          tpu.yield
        }) : () -> ()
      } else {
      }
      %eq3A = arith.constant 78 : i32
      %eq3A_9 = arith.cmpi eq, %add3A, %eq3A : i32
      %convert_element_type3A_10 = arith.extui %eq3A_9 : i1 to i32
      %cond3A_11 = arith.constant 0 : i32
      %cond3A_12 = arith.cmpi ne, %convert_element_type3A_10, %cond3A_11 : i32
      scf.if %cond3A_12 {
        "tpu.region"() ({
          %run_scoped3A = tpu.sem_alloc : memref<!tpu.dma_semaphore, #tpu.memory_space<semaphore_mem>>
          %dma_start3A = arith.constant 9984 : i32
          %dma_start3A_13 = tpu.memref_slice %arg3[%dma_start3A] : memref<10000xi32, #tpu.memory_space<hbm>> -> memref<16xi32, #tpu.memory_space<hbm>>
          %dma_start3A_14 = arith.constant 9984 : i32
          %dma_start3A_15 = tpu.memref_slice %arg3[%dma_start3A_14] : memref<10000xi32, #tpu.memory_space<hbm>> -> memref<16xi32, #tpu.memory_space<hbm>>
          tpu.enqueue_dma source(%dma_start3A_15 : memref<16xi32, #tpu.memory_space<hbm>>) target(%arg7 : memref<16xi32, #tpu.memory_space<vmem>>) target_semaphore(%run_scoped3A : memref<!tpu.dma_semaphore, #tpu.memory_space<semaphore_mem>>)
          %dma_wait3A = arith.constant 9984 : i32
          %dma_wait3A_16 = tpu.memref_slice %arg3[%dma_wait3A] : memref<10000xi32, #tpu.memory_space<hbm>> -> memref<16xi32, #tpu.memory_space<hbm>>
          %dma_wait3A_17 = arith.constant 9984 : i32
          %dma_wait3A_18 = tpu.memref_slice %arg3[%dma_wait3A_17] : memref<10000xi32, #tpu.memory_space<hbm>> -> memref<16xi32, #tpu.memory_space<hbm>>
          tpu.wait_dma2 semaphore(%run_scoped3A : memref<!tpu.dma_semaphore, #tpu.memory_space<semaphore_mem>>) src(%dma_wait3A_18 : memref<16xi32, #tpu.memory_space<hbm>>) dst(%arg7 : memref<16xi32, #tpu.memory_space<vmem>>)
          tpu.yield
        }) : () -> ()
        "tpu.region"() ({
          %run_scoped3A = tpu.sem_alloc : memref<!tpu.dma_semaphore, #tpu.memory_space<semaphore_mem>>
          %dma_start3A = arith.constant 0 : i32
          %dma_start3A_13 = arith.constant 0 : i32
          %dma_start3A_14 = tpu.memref_slice %arg2[%arg0, %dma_start3A, %dma_start3A_13] : memref<2x2000x128xf32, #tpu.memory_space<hbm>> -> memref<1x2000x128xf32, #tpu.memory_space<hbm>>
          %dma_start3A_15 = tpu.memref_squeeze %dma_start3A_14 : memref<1x2000x128xf32, #tpu.memory_space<hbm>> -> memref<2000x128xf32, #tpu.memory_space<hbm>>
          %dma_start3A_16 = arith.constant 0 : i32
          %dma_start3A_17 = arith.constant 0 : i32
          %dma_start3A_18 = tpu.memref_slice %dma_start3A_15[%dma_start3A_16, %dma_start3A_17] : memref<2000x128xf32, #tpu.memory_space<hbm>> -> memref<2000x128xf32, #tpu.memory_space<hbm>>
          tpu.enqueue_indirect_dma source(%dma_start3A_18 : memref<2000x128xf32, #tpu.memory_space<hbm>>) target(%arg8 : memref<16x128xf32, #tpu.memory_space<vmem>>) offsets(%arg7 : memref<16xi32, #tpu.memory_space<vmem>>) semaphore(%run_scoped3A : memref<!tpu.dma_semaphore, #tpu.memory_space<semaphore_mem>>)
          %dma_wait3A = arith.constant 0 : i32
          %dma_wait3A_19 = arith.constant 0 : i32
          %dma_wait3A_20 = tpu.memref_slice %arg2[%arg0, %dma_wait3A, %dma_wait3A_19] : memref<2x2000x128xf32, #tpu.memory_space<hbm>> -> memref<1x2000x128xf32, #tpu.memory_space<hbm>>
          %dma_wait3A_21 = tpu.memref_squeeze %dma_wait3A_20 : memref<1x2000x128xf32, #tpu.memory_space<hbm>> -> memref<2000x128xf32, #tpu.memory_space<hbm>>
          %dma_wait3A_22 = arith.constant 0 : i32
          %dma_wait3A_23 = arith.constant 0 : i32
          %dma_wait3A_24 = tpu.memref_slice %dma_wait3A_21[%dma_wait3A_22, %dma_wait3A_23] : memref<2000x128xf32, #tpu.memory_space<hbm>> -> memref<2000x128xf32, #tpu.memory_space<hbm>>
          tpu.wait_indirect_dma semaphore(%run_scoped3A : memref<!tpu.dma_semaphore, #tpu.memory_space<semaphore_mem>>) src(%dma_wait3A_24 : memref<2000x128xf32, #tpu.memory_space<hbm>>) dst(%arg8 : memref<16x128xf32, #tpu.memory_space<vmem>>)
          tpu.yield
        }) : () -> ()
        "tpu.region"() ({
          %run_scoped3A = tpu.sem_alloc : memref<!tpu.dma_semaphore, #tpu.memory_space<semaphore_mem>>
          %dma_start3A = arith.constant 0 : i32
          %dma_start3A_13 = arith.constant 0 : i32
          %dma_start3A_14 = tpu.memref_slice %arg4[%arg0, %dma_start3A, %dma_start3A_13] : memref<2x10000x128xf32, #tpu.memory_space<hbm>> -> memref<1x10000x128xf32, #tpu.memory_space<hbm>>
          %dma_start3A_15 = tpu.memref_squeeze %dma_start3A_14 : memref<1x10000x128xf32, #tpu.memory_space<hbm>> -> memref<10000x128xf32, #tpu.memory_space<hbm>>
          %dma_start3A_16 = arith.constant 9984 : i32
          %dma_start3A_17 = arith.constant 0 : i32
          %dma_start3A_18 = tpu.memref_slice %dma_start3A_15[%dma_start3A_16, %dma_start3A_17] : memref<10000x128xf32, #tpu.memory_space<hbm>> -> memref<16x128xf32, #tpu.memory_space<hbm>>
          %dma_start3A_19 = arith.constant 0 : i32
          %dma_start3A_20 = arith.constant 0 : i32
          %dma_start3A_21 = tpu.memref_slice %arg4[%arg0, %dma_start3A_19, %dma_start3A_20] : memref<2x10000x128xf32, #tpu.memory_space<hbm>> -> memref<1x10000x128xf32, #tpu.memory_space<hbm>>
          %dma_start3A_22 = tpu.memref_squeeze %dma_start3A_21 : memref<1x10000x128xf32, #tpu.memory_space<hbm>> -> memref<10000x128xf32, #tpu.memory_space<hbm>>
          %dma_start3A_23 = arith.constant 9984 : i32
          %dma_start3A_24 = arith.constant 0 : i32
          %dma_start3A_25 = tpu.memref_slice %dma_start3A_22[%dma_start3A_23, %dma_start3A_24] : memref<10000x128xf32, #tpu.memory_space<hbm>> -> memref<16x128xf32, #tpu.memory_space<hbm>>
          tpu.enqueue_dma source(%arg8 : memref<16x128xf32, #tpu.memory_space<vmem>>) target(%dma_start3A_25 : memref<16x128xf32, #tpu.memory_space<hbm>>) target_semaphore(%run_scoped3A : memref<!tpu.dma_semaphore, #tpu.memory_space<semaphore_mem>>)
          %dma_wait3A = arith.constant 0 : i32
          %dma_wait3A_26 = arith.constant 0 : i32
          %dma_wait3A_27 = tpu.memref_slice %arg4[%arg0, %dma_wait3A, %dma_wait3A_26] : memref<2x10000x128xf32, #tpu.memory_space<hbm>> -> memref<1x10000x128xf32, #tpu.memory_space<hbm>>
          %dma_wait3A_28 = tpu.memref_squeeze %dma_wait3A_27 : memref<1x10000x128xf32, #tpu.memory_space<hbm>> -> memref<10000x128xf32, #tpu.memory_space<hbm>>
          %dma_wait3A_29 = arith.constant 9984 : i32
          %dma_wait3A_30 = arith.constant 0 : i32
          %dma_wait3A_31 = tpu.memref_slice %dma_wait3A_28[%dma_wait3A_29, %dma_wait3A_30] : memref<10000x128xf32, #tpu.memory_space<hbm>> -> memref<16x128xf32, #tpu.memory_space<hbm>>
          %dma_wait3A_32 = arith.constant 0 : i32
          %dma_wait3A_33 = arith.constant 0 : i32
          %dma_wait3A_34 = tpu.memref_slice %arg4[%arg0, %dma_wait3A_32, %dma_wait3A_33] : memref<2x10000x128xf32, #tpu.memory_space<hbm>> -> memref<1x10000x128xf32, #tpu.memory_space<hbm>>
          %dma_wait3A_35 = tpu.memref_squeeze %dma_wait3A_34 : memref<1x10000x128xf32, #tpu.memory_space<hbm>> -> memref<10000x128xf32, #tpu.memory_space<hbm>>
          %dma_wait3A_36 = arith.constant 9984 : i32
          %dma_wait3A_37 = arith.constant 0 : i32
          %dma_wait3A_38 = tpu.memref_slice %dma_wait3A_35[%dma_wait3A_36, %dma_wait3A_37] : memref<10000x128xf32, #tpu.memory_space<hbm>> -> memref<16x128xf32, #tpu.memory_space<hbm>>
          tpu.wait_dma2 semaphore(%run_scoped3A : memref<!tpu.dma_semaphore, #tpu.memory_space<semaphore_mem>>) src(%arg8 : memref<16x128xf32, #tpu.memory_space<vmem>>) dst(%dma_wait3A_38 : memref<16x128xf32, #tpu.memory_space<hbm>>)
          tpu.yield
        }) : () -> ()
      } else {
      }
    }
    %scan3A_4 = arith.constant 5 : i32
    return
  }
}

#map = affine_map<(d0, d1) -> (0, 0, 0)>
#map1 = affine_map<(d0, d1) -> (0)>
#map2 = affine_map<(d0, d1) -> (0, 0)>
module attributes {stable_mosaic.version = 14 : i64} {
  func.func @_sc_edge_agg(%arg0: i32, %arg1: i32, %arg2: memref<2x10000x128xf32, #tpu.memory_space<hbm>>, %arg3: memref<160000xi32, #tpu.memory_space<hbm>>, %arg4: memref<160000xi32, #tpu.memory_space<hbm>>, %arg5: memref<10000x128xf32, #tpu.memory_space<hbm>>, %arg6: memref<2x10000x128xf32, #tpu.memory_space<hbm>>, %arg7: memref<128xi32, #tpu.memory_space<vmem>>, %arg8: memref<128xi32, #tpu.memory_space<vmem>>, %arg9: memref<128x128xf32, #tpu.memory_space<vmem>>, %arg10: memref<200x128xf32, #tpu.memory_space<vmem>>, %arg11: memref<10000x128xf32, #tpu.memory_space<vmem_shared>>) attributes {dimension_semantics = [#tpu.dimension_semantics<core_parallel>, #tpu.dimension_semantics<subcore_parallel>], iteration_bounds = array<i64: 2, 16>, scalar_prefetch = 0 : i64, scratch_operands = 5 : i64, tpu.core_type = #tpu.core_type<sc_vector_subcore>, window_params = [{transform_indices = #map}, {transform_indices = #map1}, {transform_indices = #map1}, {transform_indices = #map2}, {transform_indices = #map}]} {
    %scan3A = arith.constant 0 : i32
    %scan3A_0 = arith.constant 0 : i32
    %scan3A_1 = arith.constant 4 : i32
    %scan3A_2 = arith.addi %scan3A_0, %scan3A_1 : i32
    %scan3A_3 = arith.constant 1 : i32
    scf.for %scan3A_18 = %scan3A_0 to %scan3A_2 step %scan3A_3  : i32 {
      %mul3A = arith.constant 16 : i32
      %mul3A_19 = arith.muli %mul3A, %scan3A_18 : i32
      %add3A = arith.addi %arg1, %mul3A_19 : i32
      %lt3A = arith.constant 50 : i32
      %lt3A_20 = arith.cmpi slt, %add3A, %lt3A : i32
      %convert_element_type3A = arith.extui %lt3A_20 : i1 to i32
      %cond3A = arith.constant 0 : i32
      %cond3A_21 = arith.cmpi ne, %convert_element_type3A, %cond3A : i32
      scf.if %cond3A_21 {
        %mul3A_22 = arith.constant 200 : i32
        %mul3A_23 = arith.muli %add3A, %mul3A_22 : i32
        "tpu.region"() ({
          %run_scoped3A = tpu.sem_alloc : memref<!tpu.dma_semaphore, #tpu.memory_space<semaphore_mem>>
          %dma_start3A = arith.constant 0 : i32
          %dma_start3A_24 = tpu.memref_slice %arg11[%mul3A_23, %dma_start3A] : memref<10000x128xf32, #tpu.memory_space<vmem_shared>> -> memref<200x128xf32, #tpu.memory_space<vmem_shared>>
          %dma_start3A_25 = arith.constant 0 : i32
          %dma_start3A_26 = tpu.memref_slice %arg5[%mul3A_23, %dma_start3A_25] : memref<10000x128xf32, #tpu.memory_space<hbm>> -> memref<200x128xf32, #tpu.memory_space<hbm>>
          tpu.enqueue_dma source(%dma_start3A_26 : memref<200x128xf32, #tpu.memory_space<hbm>>) target(%dma_start3A_24 : memref<200x128xf32, #tpu.memory_space<vmem_shared>>) target_semaphore(%run_scoped3A : memref<!tpu.dma_semaphore, #tpu.memory_space<semaphore_mem>>)
          %dma_wait3A = arith.constant 0 : i32
          %dma_wait3A_27 = tpu.memref_slice %arg11[%mul3A_23, %dma_wait3A] : memref<10000x128xf32, #tpu.memory_space<vmem_shared>> -> memref<200x128xf32, #tpu.memory_space<vmem_shared>>
          %dma_wait3A_28 = arith.constant 0 : i32
          %dma_wait3A_29 = tpu.memref_slice %arg5[%mul3A_23, %dma_wait3A_28] : memref<10000x128xf32, #tpu.memory_space<hbm>> -> memref<200x128xf32, #tpu.memory_space<hbm>>
          tpu.wait_dma2 semaphore(%run_scoped3A : memref<!tpu.dma_semaphore, #tpu.memory_space<semaphore_mem>>) src(%dma_wait3A_29 : memref<200x128xf32, #tpu.memory_space<hbm>>) dst(%dma_wait3A_27 : memref<200x128xf32, #tpu.memory_space<vmem_shared>>)
          tpu.yield
        }) : () -> ()
      } else {
      }
    }
    %scan3A_4 = arith.constant 4 : i32
    %barrier3A = arith.constant 0 : index
    tpu.barrier barrier_id(%barrier3A)
    %scan3A_5 = arith.constant 0 : i32
    %scan3A_6 = arith.constant 0 : i32
    %scan3A_7 = arith.constant 79 : i32
    %scan3A_8 = arith.addi %scan3A_6, %scan3A_7 : i32
    %scan3A_9 = arith.constant 1 : i32
    scf.for %scan3A_18 = %scan3A_6 to %scan3A_8 step %scan3A_9  : i32 {
      %mul3A = arith.constant 16 : i32
      %mul3A_19 = arith.muli %mul3A, %scan3A_18 : i32
      %add3A = arith.addi %arg1, %mul3A_19 : i32
      %lt3A = arith.constant 1250 : i32
      %lt3A_20 = arith.cmpi slt, %add3A, %lt3A : i32
      %convert_element_type3A = arith.extui %lt3A_20 : i1 to i32
      %cond3A = arith.constant 0 : i32
      %cond3A_21 = arith.cmpi ne, %convert_element_type3A, %cond3A : i32
      scf.if %cond3A_21 {
        %mul3A_22 = arith.constant 128 : i32
        %mul3A_23 = arith.muli %add3A, %mul3A_22 : i32
        "tpu.region"() ({
          %run_scoped3A = tpu.sem_alloc : memref<!tpu.dma_semaphore, #tpu.memory_space<semaphore_mem>>
          %dma_start3A = tpu.memref_slice %arg3[%mul3A_23] : memref<160000xi32, #tpu.memory_space<hbm>> -> memref<128xi32, #tpu.memory_space<hbm>>
          %dma_start3A_24 = tpu.memref_slice %arg3[%mul3A_23] : memref<160000xi32, #tpu.memory_space<hbm>> -> memref<128xi32, #tpu.memory_space<hbm>>
          tpu.enqueue_dma source(%dma_start3A_24 : memref<128xi32, #tpu.memory_space<hbm>>) target(%arg7 : memref<128xi32, #tpu.memory_space<vmem>>) target_semaphore(%run_scoped3A : memref<!tpu.dma_semaphore, #tpu.memory_space<semaphore_mem>>)
          %dma_wait3A = tpu.memref_slice %arg3[%mul3A_23] : memref<160000xi32, #tpu.memory_space<hbm>> -> memref<128xi32, #tpu.memory_space<hbm>>
          %dma_wait3A_25 = tpu.memref_slice %arg3[%mul3A_23] : memref<160000xi32, #tpu.memory_space<hbm>> -> memref<128xi32, #tpu.memory_space<hbm>>
          tpu.wait_dma2 semaphore(%run_scoped3A : memref<!tpu.dma_semaphore, #tpu.memory_space<semaphore_mem>>) src(%dma_wait3A_25 : memref<128xi32, #tpu.memory_space<hbm>>) dst(%arg7 : memref<128xi32, #tpu.memory_space<vmem>>)
          tpu.yield
        }) : () -> ()
        "tpu.region"() ({
          %run_scoped3A = tpu.sem_alloc : memref<!tpu.dma_semaphore, #tpu.memory_space<semaphore_mem>>
          %dma_start3A = tpu.memref_slice %arg4[%mul3A_23] : memref<160000xi32, #tpu.memory_space<hbm>> -> memref<128xi32, #tpu.memory_space<hbm>>
          %dma_start3A_24 = tpu.memref_slice %arg4[%mul3A_23] : memref<160000xi32, #tpu.memory_space<hbm>> -> memref<128xi32, #tpu.memory_space<hbm>>
          tpu.enqueue_dma source(%dma_start3A_24 : memref<128xi32, #tpu.memory_space<hbm>>) target(%arg8 : memref<128xi32, #tpu.memory_space<vmem>>) target_semaphore(%run_scoped3A : memref<!tpu.dma_semaphore, #tpu.memory_space<semaphore_mem>>)
          %dma_wait3A = tpu.memref_slice %arg4[%mul3A_23] : memref<160000xi32, #tpu.memory_space<hbm>> -> memref<128xi32, #tpu.memory_space<hbm>>
          %dma_wait3A_25 = tpu.memref_slice %arg4[%mul3A_23] : memref<160000xi32, #tpu.memory_space<hbm>> -> memref<128xi32, #tpu.memory_space<hbm>>
          tpu.wait_dma2 semaphore(%run_scoped3A : memref<!tpu.dma_semaphore, #tpu.memory_space<semaphore_mem>>) src(%dma_wait3A_25 : memref<128xi32, #tpu.memory_space<hbm>>) dst(%arg8 : memref<128xi32, #tpu.memory_space<vmem>>)
          tpu.yield
        }) : () -> ()
        "tpu.region"() ({
          %run_scoped3A = tpu.sem_alloc : memref<!tpu.dma_semaphore, #tpu.memory_space<semaphore_mem>>
          %dma_start3A = arith.constant 0 : i32
          %dma_start3A_24 = arith.constant 0 : i32
          %dma_start3A_25 = tpu.memref_slice %arg2[%arg0, %dma_start3A, %dma_start3A_24] : memref<2x10000x128xf32, #tpu.memory_space<hbm>> -> memref<1x10000x128xf32, #tpu.memory_space<hbm>>
          %dma_start3A_26 = tpu.memref_squeeze %dma_start3A_25 : memref<1x10000x128xf32, #tpu.memory_space<hbm>> -> memref<10000x128xf32, #tpu.memory_space<hbm>>
          %dma_start3A_27 = arith.constant 0 : i32
          %dma_start3A_28 = arith.constant 0 : i32
          %dma_start3A_29 = tpu.memref_slice %dma_start3A_26[%dma_start3A_27, %dma_start3A_28] : memref<10000x128xf32, #tpu.memory_space<hbm>> -> memref<10000x128xf32, #tpu.memory_space<hbm>>
          tpu.enqueue_indirect_dma source(%dma_start3A_29 : memref<10000x128xf32, #tpu.memory_space<hbm>>) target(%arg9 : memref<128x128xf32, #tpu.memory_space<vmem>>) offsets(%arg7 : memref<128xi32, #tpu.memory_space<vmem>>) semaphore(%run_scoped3A : memref<!tpu.dma_semaphore, #tpu.memory_space<semaphore_mem>>)
          %dma_wait3A = arith.constant 0 : i32
          %dma_wait3A_30 = arith.constant 0 : i32
          %dma_wait3A_31 = tpu.memref_slice %arg2[%arg0, %dma_wait3A, %dma_wait3A_30] : memref<2x10000x128xf32, #tpu.memory_space<hbm>> -> memref<1x10000x128xf32, #tpu.memory_space<hbm>>
          %dma_wait3A_32 = tpu.memref_squeeze %dma_wait3A_31 : memref<1x10000x128xf32, #tpu.memory_space<hbm>> -> memref<10000x128xf32, #tpu.memory_space<hbm>>
          %dma_wait3A_33 = arith.constant 0 : i32
          %dma_wait3A_34 = arith.constant 0 : i32
          %dma_wait3A_35 = tpu.memref_slice %dma_wait3A_32[%dma_wait3A_33, %dma_wait3A_34] : memref<10000x128xf32, #tpu.memory_space<hbm>> -> memref<10000x128xf32, #tpu.memory_space<hbm>>
          tpu.wait_indirect_dma semaphore(%run_scoped3A : memref<!tpu.dma_semaphore, #tpu.memory_space<semaphore_mem>>) src(%dma_wait3A_35 : memref<10000x128xf32, #tpu.memory_space<hbm>>) dst(%arg9 : memref<128x128xf32, #tpu.memory_space<vmem>>)
          tpu.yield
        }) : () -> ()
        "tpu.region"() ({
          %run_scoped3A = tpu.sem_alloc : memref<!tpu.dma_semaphore, #tpu.memory_space<semaphore_mem>>
          %dma_start3A = arith.constant 0 : i32
          %dma_start3A_24 = arith.constant 0 : i32
          %dma_start3A_25 = tpu.memref_slice %arg11[%dma_start3A, %dma_start3A_24] : memref<10000x128xf32, #tpu.memory_space<vmem_shared>> -> memref<10000x128xf32, #tpu.memory_space<vmem_shared>>
          tpu.enqueue_indirect_dma source(%arg9 : memref<128x128xf32, #tpu.memory_space<vmem>>) target(%dma_start3A_25 : memref<10000x128xf32, #tpu.memory_space<vmem_shared>>) offsets(%arg8 : memref<128xi32, #tpu.memory_space<vmem>>) semaphore(%run_scoped3A : memref<!tpu.dma_semaphore, #tpu.memory_space<semaphore_mem>>) {add = true}
          %dma_wait3A = arith.constant 0 : i32
          %dma_wait3A_26 = arith.constant 0 : i32
          %dma_wait3A_27 = tpu.memref_slice %arg11[%dma_wait3A, %dma_wait3A_26] : memref<10000x128xf32, #tpu.memory_space<vmem_shared>> -> memref<10000x128xf32, #tpu.memory_space<vmem_shared>>
          tpu.wait_indirect_dma semaphore(%run_scoped3A : memref<!tpu.dma_semaphore, #tpu.memory_space<semaphore_mem>>) src(%arg9 : memref<128x128xf32, #tpu.memory_space<vmem>>) dst(%dma_wait3A_27 : memref<10000x128xf32, #tpu.memory_space<vmem_shared>>)
          tpu.yield
        }) : () -> ()
      } else {
      }
    }
    %scan3A_10 = arith.constant 79 : i32
    %barrier3A_11 = arith.constant 0 : index
    tpu.barrier barrier_id(%barrier3A_11)
    %scan3A_12 = arith.constant 0 : i32
    %scan3A_13 = arith.constant 0 : i32
    %scan3A_14 = arith.constant 4 : i32
    %scan3A_15 = arith.addi %scan3A_13, %scan3A_14 : i32
    %scan3A_16 = arith.constant 1 : i32
    scf.for %scan3A_18 = %scan3A_13 to %scan3A_15 step %scan3A_16  : i32 {
      %mul3A = arith.constant 16 : i32
      %mul3A_19 = arith.muli %mul3A, %scan3A_18 : i32
      %add3A = arith.addi %arg1, %mul3A_19 : i32
      %lt3A = arith.constant 50 : i32
      %lt3A_20 = arith.cmpi slt, %add3A, %lt3A : i32
      %convert_element_type3A = arith.extui %lt3A_20 : i1 to i32
      %cond3A = arith.constant 0 : i32
      %cond3A_21 = arith.cmpi ne, %convert_element_type3A, %cond3A : i32
      scf.if %cond3A_21 {
        %mul3A_22 = arith.constant 200 : i32
        %mul3A_23 = arith.muli %add3A, %mul3A_22 : i32
        "tpu.region"() ({
          %run_scoped3A = tpu.sem_alloc : memref<!tpu.dma_semaphore, #tpu.memory_space<semaphore_mem>>
          %dma_start3A = arith.constant 0 : i32
          %dma_start3A_24 = tpu.memref_slice %arg11[%mul3A_23, %dma_start3A] : memref<10000x128xf32, #tpu.memory_space<vmem_shared>> -> memref<200x128xf32, #tpu.memory_space<vmem_shared>>
          %dma_start3A_25 = arith.constant 0 : i32
          %dma_start3A_26 = tpu.memref_slice %arg11[%mul3A_23, %dma_start3A_25] : memref<10000x128xf32, #tpu.memory_space<vmem_shared>> -> memref<200x128xf32, #tpu.memory_space<vmem_shared>>
          tpu.enqueue_dma source(%dma_start3A_26 : memref<200x128xf32, #tpu.memory_space<vmem_shared>>) target(%arg10 : memref<200x128xf32, #tpu.memory_space<vmem>>) target_semaphore(%run_scoped3A : memref<!tpu.dma_semaphore, #tpu.memory_space<semaphore_mem>>)
          %dma_wait3A = arith.constant 0 : i32
          %dma_wait3A_27 = tpu.memref_slice %arg11[%mul3A_23, %dma_wait3A] : memref<10000x128xf32, #tpu.memory_space<vmem_shared>> -> memref<200x128xf32, #tpu.memory_space<vmem_shared>>
          %dma_wait3A_28 = arith.constant 0 : i32
          %dma_wait3A_29 = tpu.memref_slice %arg11[%mul3A_23, %dma_wait3A_28] : memref<10000x128xf32, #tpu.memory_space<vmem_shared>> -> memref<200x128xf32, #tpu.memory_space<vmem_shared>>
          tpu.wait_dma2 semaphore(%run_scoped3A : memref<!tpu.dma_semaphore, #tpu.memory_space<semaphore_mem>>) src(%dma_wait3A_29 : memref<200x128xf32, #tpu.memory_space<vmem_shared>>) dst(%arg10 : memref<200x128xf32, #tpu.memory_space<vmem>>)
          tpu.yield
        }) : () -> ()
        "tpu.region"() ({
          %run_scoped3A = tpu.sem_alloc : memref<!tpu.dma_semaphore, #tpu.memory_space<semaphore_mem>>
          %dma_start3A = arith.constant 0 : i32
          %dma_start3A_24 = arith.constant 0 : i32
          %dma_start3A_25 = tpu.memref_slice %arg6[%arg0, %dma_start3A, %dma_start3A_24] : memref<2x10000x128xf32, #tpu.memory_space<hbm>> -> memref<1x10000x128xf32, #tpu.memory_space<hbm>>
          %dma_start3A_26 = tpu.memref_squeeze %dma_start3A_25 : memref<1x10000x128xf32, #tpu.memory_space<hbm>> -> memref<10000x128xf32, #tpu.memory_space<hbm>>
          %dma_start3A_27 = arith.constant 0 : i32
          %dma_start3A_28 = tpu.memref_slice %dma_start3A_26[%mul3A_23, %dma_start3A_27] : memref<10000x128xf32, #tpu.memory_space<hbm>> -> memref<200x128xf32, #tpu.memory_space<hbm>>
          %dma_start3A_29 = arith.constant 0 : i32
          %dma_start3A_30 = arith.constant 0 : i32
          %dma_start3A_31 = tpu.memref_slice %arg6[%arg0, %dma_start3A_29, %dma_start3A_30] : memref<2x10000x128xf32, #tpu.memory_space<hbm>> -> memref<1x10000x128xf32, #tpu.memory_space<hbm>>
          %dma_start3A_32 = tpu.memref_squeeze %dma_start3A_31 : memref<1x10000x128xf32, #tpu.memory_space<hbm>> -> memref<10000x128xf32, #tpu.memory_space<hbm>>
          %dma_start3A_33 = arith.constant 0 : i32
          %dma_start3A_34 = tpu.memref_slice %dma_start3A_32[%mul3A_23, %dma_start3A_33] : memref<10000x128xf32, #tpu.memory_space<hbm>> -> memref<200x128xf32, #tpu.memory_space<hbm>>
          tpu.enqueue_dma source(%arg10 : memref<200x128xf32, #tpu.memory_space<vmem>>) target(%dma_start3A_34 : memref<200x128xf32, #tpu.memory_space<hbm>>) target_semaphore(%run_scoped3A : memref<!tpu.dma_semaphore, #tpu.memory_space<semaphore_mem>>)
          %dma_wait3A = arith.constant 0 : i32
          %dma_wait3A_35 = arith.constant 0 : i32
          %dma_wait3A_36 = tpu.memref_slice %arg6[%arg0, %dma_wait3A, %dma_wait3A_35] : memref<2x10000x128xf32, #tpu.memory_space<hbm>> -> memref<1x10000x128xf32, #tpu.memory_space<hbm>>
          %dma_wait3A_37 = tpu.memref_squeeze %dma_wait3A_36 : memref<1x10000x128xf32, #tpu.memory_space<hbm>> -> memref<10000x128xf32, #tpu.memory_space<hbm>>
          %dma_wait3A_38 = arith.constant 0 : i32
          %dma_wait3A_39 = tpu.memref_slice %dma_wait3A_37[%mul3A_23, %dma_wait3A_38] : memref<10000x128xf32, #tpu.memory_space<hbm>> -> memref<200x128xf32, #tpu.memory_space<hbm>>
          %dma_wait3A_40 = arith.constant 0 : i32
          %dma_wait3A_41 = arith.constant 0 : i32
          %dma_wait3A_42 = tpu.memref_slice %arg6[%arg0, %dma_wait3A_40, %dma_wait3A_41] : memref<2x10000x128xf32, #tpu.memory_space<hbm>> -> memref<1x10000x128xf32, #tpu.memory_space<hbm>>
          %dma_wait3A_43 = tpu.memref_squeeze %dma_wait3A_42 : memref<1x10000x128xf32, #tpu.memory_space<hbm>> -> memref<10000x128xf32, #tpu.memory_space<hbm>>
          %dma_wait3A_44 = arith.constant 0 : i32
          %dma_wait3A_45 = tpu.memref_slice %dma_wait3A_43[%mul3A_23, %dma_wait3A_44] : memref<10000x128xf32, #tpu.memory_space<hbm>> -> memref<200x128xf32, #tpu.memory_space<hbm>>
          tpu.wait_dma2 semaphore(%run_scoped3A : memref<!tpu.dma_semaphore, #tpu.memory_space<semaphore_mem>>) src(%arg10 : memref<200x128xf32, #tpu.memory_space<vmem>>) dst(%dma_wait3A_45 : memref<200x128xf32, #tpu.memory_space<hbm>>)
          tpu.yield
        }) : () -> ()
      } else {
      }
    }
    %scan3A_17 = arith.constant 4 : i32
    return
  }
}

#map = affine_map<(d0, d1) -> (0, 0, 0)>
#map1 = affine_map<(d0, d1) -> (0)>
module attributes {stable_mosaic.version = 14 : i64} {
  func.func @_sc_roots(%arg0: i32, %arg1: i32, %arg2: memref<2x10000x128xf32, #tpu.memory_space<hbm>>, %arg3: memref<16xi32, #tpu.memory_space<hbm>>, %arg4: memref<2x16x128xf32, #tpu.memory_space<hbm>>, %arg5: memref<16xi32, #tpu.memory_space<vmem>>, %arg6: memref<16x128xf32, #tpu.memory_space<vmem>>) attributes {dimension_semantics = [#tpu.dimension_semantics<core_parallel>, #tpu.dimension_semantics<subcore_parallel>], iteration_bounds = array<i64: 2, 16>, scalar_prefetch = 0 : i64, scratch_operands = 2 : i64, tpu.core_type = #tpu.core_type<sc_vector_subcore>, window_params = [{transform_indices = #map}, {transform_indices = #map1}, {transform_indices = #map}]} {
    %eq3A = arith.constant 0 : i32
    %eq3A_0 = arith.cmpi eq, %arg1, %eq3A : i32
    %convert_element_type3A = arith.extui %eq3A_0 : i1 to i32
    %cond3A = arith.constant 0 : i32
    %cond3A_1 = arith.cmpi ne, %convert_element_type3A, %cond3A : i32
    scf.if %cond3A_1 {
      "tpu.region"() ({
        %run_scoped3A = tpu.sem_alloc : memref<!tpu.dma_semaphore, #tpu.memory_space<semaphore_mem>>
        tpu.enqueue_dma source(%arg3 : memref<16xi32, #tpu.memory_space<hbm>>) target(%arg5 : memref<16xi32, #tpu.memory_space<vmem>>) target_semaphore(%run_scoped3A : memref<!tpu.dma_semaphore, #tpu.memory_space<semaphore_mem>>)
        tpu.wait_dma2 semaphore(%run_scoped3A : memref<!tpu.dma_semaphore, #tpu.memory_space<semaphore_mem>>) src(%arg3 : memref<16xi32, #tpu.memory_space<hbm>>) dst(%arg5 : memref<16xi32, #tpu.memory_space<vmem>>)
        tpu.yield
      }) : () -> ()
      "tpu.region"() ({
        %run_scoped3A = tpu.sem_alloc : memref<!tpu.dma_semaphore, #tpu.memory_space<semaphore_mem>>
        %dma_start3A = arith.constant 0 : i32
        %dma_start3A_2 = arith.constant 0 : i32
        %dma_start3A_3 = tpu.memref_slice %arg2[%arg0, %dma_start3A, %dma_start3A_2] : memref<2x10000x128xf32, #tpu.memory_space<hbm>> -> memref<1x10000x128xf32, #tpu.memory_space<hbm>>
        %dma_start3A_4 = tpu.memref_squeeze %dma_start3A_3 : memref<1x10000x128xf32, #tpu.memory_space<hbm>> -> memref<10000x128xf32, #tpu.memory_space<hbm>>
        %dma_start3A_5 = arith.constant 0 : i32
        %dma_start3A_6 = arith.constant 0 : i32
        %dma_start3A_7 = tpu.memref_slice %dma_start3A_4[%dma_start3A_5, %dma_start3A_6] : memref<10000x128xf32, #tpu.memory_space<hbm>> -> memref<10000x128xf32, #tpu.memory_space<hbm>>
        tpu.enqueue_indirect_dma source(%dma_start3A_7 : memref<10000x128xf32, #tpu.memory_space<hbm>>) target(%arg6 : memref<16x128xf32, #tpu.memory_space<vmem>>) offsets(%arg5 : memref<16xi32, #tpu.memory_space<vmem>>) semaphore(%run_scoped3A : memref<!tpu.dma_semaphore, #tpu.memory_space<semaphore_mem>>)
        %dma_wait3A = arith.constant 0 : i32
        %dma_wait3A_8 = arith.constant 0 : i32
        %dma_wait3A_9 = tpu.memref_slice %arg2[%arg0, %dma_wait3A, %dma_wait3A_8] : memref<2x10000x128xf32, #tpu.memory_space<hbm>> -> memref<1x10000x128xf32, #tpu.memory_space<hbm>>
        %dma_wait3A_10 = tpu.memref_squeeze %dma_wait3A_9 : memref<1x10000x128xf32, #tpu.memory_space<hbm>> -> memref<10000x128xf32, #tpu.memory_space<hbm>>
        %dma_wait3A_11 = arith.constant 0 : i32
        %dma_wait3A_12 = arith.constant 0 : i32
        %dma_wait3A_13 = tpu.memref_slice %dma_wait3A_10[%dma_wait3A_11, %dma_wait3A_12] : memref<10000x128xf32, #tpu.memory_space<hbm>> -> memref<10000x128xf32, #tpu.memory_space<hbm>>
        tpu.wait_indirect_dma semaphore(%run_scoped3A : memref<!tpu.dma_semaphore, #tpu.memory_space<semaphore_mem>>) src(%dma_wait3A_13 : memref<10000x128xf32, #tpu.memory_space<hbm>>) dst(%arg6 : memref<16x128xf32, #tpu.memory_space<vmem>>)
        tpu.yield
      }) : () -> ()
      "tpu.region"() ({
        %run_scoped3A = tpu.sem_alloc : memref<!tpu.dma_semaphore, #tpu.memory_space<semaphore_mem>>
        %dma_start3A = arith.constant 0 : i32
        %dma_start3A_2 = arith.constant 0 : i32
        %dma_start3A_3 = tpu.memref_slice %arg4[%arg0, %dma_start3A, %dma_start3A_2] : memref<2x16x128xf32, #tpu.memory_space<hbm>> -> memref<1x16x128xf32, #tpu.memory_space<hbm>>
        %dma_start3A_4 = tpu.memref_squeeze %dma_start3A_3 : memref<1x16x128xf32, #tpu.memory_space<hbm>> -> memref<16x128xf32, #tpu.memory_space<hbm>>
        %dma_start3A_5 = arith.constant 0 : i32
        %dma_start3A_6 = arith.constant 0 : i32
        %dma_start3A_7 = tpu.memref_slice %arg4[%arg0, %dma_start3A_5, %dma_start3A_6] : memref<2x16x128xf32, #tpu.memory_space<hbm>> -> memref<1x16x128xf32, #tpu.memory_space<hbm>>
        %dma_start3A_8 = tpu.memref_squeeze %dma_start3A_7 : memref<1x16x128xf32, #tpu.memory_space<hbm>> -> memref<16x128xf32, #tpu.memory_space<hbm>>
        tpu.enqueue_dma source(%arg6 : memref<16x128xf32, #tpu.memory_space<vmem>>) target(%dma_start3A_8 : memref<16x128xf32, #tpu.memory_space<hbm>>) target_semaphore(%run_scoped3A : memref<!tpu.dma_semaphore, #tpu.memory_space<semaphore_mem>>)
        %dma_wait3A = arith.constant 0 : i32
        %dma_wait3A_9 = arith.constant 0 : i32
        %dma_wait3A_10 = tpu.memref_slice %arg4[%arg0, %dma_wait3A, %dma_wait3A_9] : memref<2x16x128xf32, #tpu.memory_space<hbm>> -> memref<1x16x128xf32, #tpu.memory_space<hbm>>
        %dma_wait3A_11 = tpu.memref_squeeze %dma_wait3A_10 : memref<1x16x128xf32, #tpu.memory_space<hbm>> -> memref<16x128xf32, #tpu.memory_space<hbm>>
        %dma_wait3A_12 = arith.constant 0 : i32
        %dma_wait3A_13 = arith.constant 0 : i32
        %dma_wait3A_14 = tpu.memref_slice %arg4[%arg0, %dma_wait3A_12, %dma_wait3A_13] : memref<2x16x128xf32, #tpu.memory_space<hbm>> -> memref<1x16x128xf32, #tpu.memory_space<hbm>>
        %dma_wait3A_15 = tpu.memref_squeeze %dma_wait3A_14 : memref<1x16x128xf32, #tpu.memory_space<hbm>> -> memref<16x128xf32, #tpu.memory_space<hbm>>
        tpu.wait_dma2 semaphore(%run_scoped3A : memref<!tpu.dma_semaphore, #tpu.memory_space<semaphore_mem>>) src(%arg6 : memref<16x128xf32, #tpu.memory_space<vmem>>) dst(%dma_wait3A_15 : memref<16x128xf32, #tpu.memory_space<hbm>>)
        tpu.yield
      }) : () -> ()
    } else {
    }
    return
  }
}

module attributes {stable_mosaic.version = 14 : i64} {
  func.func @_tc_lin_body(%arg0: i32, %arg1: memref<2x1000x128xf32, #tpu.memory_space<vmem>>, %arg2: memref<2x1000x128xf32, #tpu.memory_space<vmem>>, %arg3: memref<256x256xf32, #tpu.memory_space<vmem>>, %arg4: memref<1x256xf32, #tpu.memory_space<vmem>>, %arg5: memref<2x1000x128xf32, #tpu.memory_space<vmem>>) attributes {dimension_semantics = [#tpu.dimension_semantics<arbitrary>], iteration_bounds = array<i64: 10>, scalar_prefetch = 0 : i64, scratch_operands = 0 : i64, tpu.core_type = #tpu.core_type<tc>, window_params = [{transform_indices = @transform_0, window_bounds = array<i64: 2, 1000, 128>}, {transform_indices = @transform_1, window_bounds = array<i64: 2, 1000, 128>}, {pipeline_mode = #tpu.pipeline_mode<synchronous>, transform_indices = @transform_2, window_bounds = array<i64: 256, 256>}, {pipeline_mode = #tpu.pipeline_mode<synchronous>, transform_indices = @transform_3, window_bounds = array<i64: 1, 256>}, {transform_indices = @transform_4, window_bounds = array<i64: 2, 1000, 128>}]} {
    %get3A = arith.constant 0 : index
    %get3A_0 = arith.constant 0 : index
    %get3A_1 = arith.constant 0 : index
    %get3A_2 = vector.load %arg2[%get3A, %get3A_0, %get3A_1] : memref<2x1000x128xf32, #tpu.memory_space<vmem>>, vector<1x1000x1xf32>
    %get3A_3 = vector.shape_cast %get3A_2 : vector<1x1000x1xf32> to vector<1000xf32>
    %max3A = arith.constant 1.000000e+00 : f32
    %max3A_4 = vector.broadcast %max3A : f32 to vector<1000xf32>
    %max3A_5 = arith.maximumf %get3A_3, %max3A_4 : vector<1000xf32>
    %div3A = arith.constant 1.000000e+00 : f32
    %div3A_6 = vector.broadcast %div3A : f32 to vector<1000xf32>
    %div3A_7 = arith.divf %div3A_6, %max3A_5 : vector<1000xf32>
    %get3A_8 = arith.constant 0 : index
    %get3A_9 = arith.constant 0 : index
    %get3A_10 = arith.constant 0 : index
    %get3A_11 = vector.load %arg1[%get3A_8, %get3A_9, %get3A_10] : memref<2x1000x128xf32, #tpu.memory_space<vmem>>, vector<1x1000x128xf32>
    %get3A_12 = vector.shape_cast %get3A_11 : vector<1x1000x128xf32> to vector<1000x128xf32>
    %broadcast_in_dim3A = vector.shape_cast %div3A_7 : vector<1000xf32> to vector<1000x1xf32>
    %mul3A = vector.broadcast %broadcast_in_dim3A : vector<1000x1xf32> to vector<1000x128xf32>
    %mul3A_13 = arith.mulf %get3A_12, %mul3A : vector<1000x128xf32>
    %get3A_14 = arith.constant 1 : index
    %get3A_15 = arith.constant 0 : index
    %get3A_16 = arith.constant 0 : index
    %get3A_17 = vector.load %arg1[%get3A_14, %get3A_15, %get3A_16] : memref<2x1000x128xf32, #tpu.memory_space<vmem>>, vector<1x1000x128xf32>
    %get3A_18 = vector.shape_cast %get3A_17 : vector<1x1000x128xf32> to vector<1000x128xf32>
    %broadcast_in_dim3A_19 = vector.shape_cast %div3A_7 : vector<1000xf32> to vector<1000x1xf32>
    %mul3A_20 = vector.broadcast %broadcast_in_dim3A_19 : vector<1000x1xf32> to vector<1000x128xf32>
    %mul3A_21 = arith.mulf %get3A_18, %mul3A_20 : vector<1000x128xf32>
    %get3A_22 = arith.constant 0 : index
    %get3A_23 = arith.constant 0 : index
    %get3A_24 = vector.load %arg3[%get3A_22, %get3A_23] : memref<256x256xf32, #tpu.memory_space<vmem>>, vector<128x256xf32>
    %dot_general3A = arith.constant dense<0.000000e+00> : vector<1000x256xf32>
    %dot_general3A_25 = tpu.matmul %mul3A_13, %get3A_24, %dot_general3A {dimension_numbers = #tpu.dot_dimension_numbers<[1], [0], [0], [1], [0, 0, 1, 1], [], []>, precision = #tpu.contract_precision<fp32>, transpose_lhs_hint = false} : vector<1000x128xf32>, vector<128x256xf32>, vector<1000x256xf32> -> vector<1000x256xf32>
    %get3A_26 = arith.constant 128 : index
    %get3A_27 = arith.constant 0 : index
    %get3A_28 = vector.load %arg3[%get3A_26, %get3A_27] : memref<256x256xf32, #tpu.memory_space<vmem>>, vector<128x256xf32>
    %dot_general3A_29 = arith.constant dense<0.000000e+00> : vector<1000x256xf32>
    %dot_general3A_30 = tpu.matmul %mul3A_21, %get3A_28, %dot_general3A_29 {dimension_numbers = #tpu.dot_dimension_numbers<[1], [0], [0], [1], [0, 0, 1, 1], [], []>, precision = #tpu.contract_precision<fp32>, transpose_lhs_hint = false} : vector<1000x128xf32>, vector<128x256xf32>, vector<1000x256xf32> -> vector<1000x256xf32>
    %add3A = arith.addf %dot_general3A_25, %dot_general3A_30 : vector<1000x256xf32>
    %get3A_31 = arith.constant 0 : index
    %get3A_32 = arith.constant 0 : index
    %get3A_33 = vector.load %arg4[%get3A_31, %get3A_32] : memref<1x256xf32, #tpu.memory_space<vmem>>, vector<1x256xf32>
    %get3A_34 = vector.shape_cast %get3A_33 : vector<1x256xf32> to vector<256xf32>
    %broadcast_in_dim3A_35 = vector.shape_cast %get3A_34 : vector<256xf32> to vector<1x256xf32>
    %add3A_36 = vector.broadcast %broadcast_in_dim3A_35 : vector<1x256xf32> to vector<1000x256xf32>
    %add3A_37 = arith.addf %add3A, %add3A_36 : vector<1000x256xf32>
    %slice3A = vector.extract_strided_slice %add3A_37 {offsets = [0, 0], sizes = [1000, 128], strides = [1, 1]} : vector<1000x256xf32> to vector<1000x128xf32>
    %swap3A = arith.constant 0 : index
    %swap3A_38 = arith.constant 0 : index
    %swap3A_39 = arith.constant 0 : index
    %swap3A_40 = vector.load %arg5[%swap3A, %swap3A_38, %swap3A_39] : memref<2x1000x128xf32, #tpu.memory_space<vmem>>, vector<1x1000x128xf32>
    %swap3A_41 = vector.shape_cast %swap3A_40 : vector<1x1000x128xf32> to vector<1000x128xf32>
    %swap3A_42 = vector.shape_cast %slice3A : vector<1000x128xf32> to vector<1x1000x128xf32>
    tpu.vector_store %arg5[%swap3A, %swap3A_38, %swap3A_39], %swap3A_42 {strides = array<i32>} : memref<2x1000x128xf32, #tpu.memory_space<vmem>>, vector<1x1000x128xf32>,
    %slice3A_43 = vector.extract_strided_slice %add3A_37 {offsets = [0, 128], sizes = [1000, 128], strides = [1, 1]} : vector<1000x256xf32> to vector<1000x128xf32>
    %swap3A_44 = arith.constant 1 : index
    %swap3A_45 = arith.constant 0 : index
    %swap3A_46 = arith.constant 0 : index
    %swap3A_47 = vector.load %arg5[%swap3A_44, %swap3A_45, %swap3A_46] : memref<2x1000x128xf32, #tpu.memory_space<vmem>>, vector<1x1000x128xf32>
    %swap3A_48 = vector.shape_cast %swap3A_47 : vector<1x1000x128xf32> to vector<1000x128xf32>
    %swap3A_49 = vector.shape_cast %slice3A_43 : vector<1000x128xf32> to vector<1x1000x128xf32>
    tpu.vector_store %arg5[%swap3A_44, %swap3A_45, %swap3A_46], %swap3A_49 {strides = array<i32>} : memref<2x1000x128xf32, #tpu.memory_space<vmem>>, vector<1x1000x128xf32>,
    return
  }
  func.func @transform_0(%arg0: i32) -> (i32, i32, i32) {
    %c0_i32 = arith.constant 0 : i32
    %c0_i32_0 = arith.constant 0 : i32
    %c0_i32_1 = arith.constant 0 : i32
    return %c0_i32, %arg0, %c0_i32_0 : i32, i32, i32
  }
  func.func @transform_1(%arg0: i32) -> (i32, i32, i32) {
    %c0_i32 = arith.constant 0 : i32
    %c0_i32_0 = arith.constant 0 : i32
    %c0_i32_1 = arith.constant 0 : i32
    return %c0_i32, %arg0, %c0_i32_0 : i32, i32, i32
  }
  func.func @transform_2(%arg0: i32) -> (i32, i32) {
    %c0_i32 = arith.constant 0 : i32
    %c0_i32_0 = arith.constant 0 : i32
    %c0_i32_1 = arith.constant 0 : i32
    return %c0_i32, %c0_i32_0 : i32, i32
  }
  func.func @transform_3(%arg0: i32) -> (i32, i32) {
    %c0_i32 = arith.constant 0 : i32
    %c0_i32_0 = arith.constant 0 : i32
    %c0_i32_1 = arith.constant 0 : i32
    return %c0_i32, %c0_i32_0 : i32, i32
  }
  func.func @transform_4(%arg0: i32) -> (i32, i32, i32) {
    %c0_i32 = arith.constant 0 : i32
    %c0_i32_0 = arith.constant 0 : i32
    %c0_i32_1 = arith.constant 0 : i32
    return %c0_i32, %arg0, %c0_i32_0 : i32, i32, i32
  }
}

module attributes {stable_mosaic.version = 14 : i64} {
  func.func @_tc_proj_body(%arg0: i32, %arg1: memref<2x1000x128xf32, #tpu.memory_space<vmem>>, %arg2: memref<256x256xf32, #tpu.memory_space<vmem>>, %arg3: memref<1x256xf32, #tpu.memory_space<vmem>>, %arg4: memref<2x1000x128xf32, #tpu.memory_space<vmem>>) attributes {dimension_semantics = [#tpu.dimension_semantics<arbitrary>], iteration_bounds = array<i64: 10>, scalar_prefetch = 0 : i64, scratch_operands = 0 : i64, tpu.core_type = #tpu.core_type<tc>, window_params = [{transform_indices = @transform_0, window_bounds = array<i64: 2, 1000, 128>}, {pipeline_mode = #tpu.pipeline_mode<synchronous>, transform_indices = @transform_1, window_bounds = array<i64: 256, 256>}, {pipeline_mode = #tpu.pipeline_mode<synchronous>, transform_indices = @transform_2, window_bounds = array<i64: 1, 256>}, {transform_indices = @transform_3, window_bounds = array<i64: 2, 1000, 128>}]} {
    %get3A = arith.constant 0 : index
    %get3A_0 = arith.constant 0 : index
    %get3A_1 = arith.constant 0 : index
    %get3A_2 = vector.load %arg1[%get3A, %get3A_0, %get3A_1] : memref<2x1000x128xf32, #tpu.memory_space<vmem>>, vector<1x1000x128xf32>
    %get3A_3 = vector.shape_cast %get3A_2 : vector<1x1000x128xf32> to vector<1000x128xf32>
    %get3A_4 = arith.constant 0 : index
    %get3A_5 = arith.constant 0 : index
    %get3A_6 = vector.load %arg2[%get3A_4, %get3A_5] : memref<256x256xf32, #tpu.memory_space<vmem>>, vector<128x256xf32>
    %dot_general3A = arith.constant dense<0.000000e+00> : vector<1000x256xf32>
    %dot_general3A_7 = tpu.matmul %get3A_3, %get3A_6, %dot_general3A {dimension_numbers = #tpu.dot_dimension_numbers<[1], [0], [0], [1], [0, 0, 1, 1], [], []>, precision = #tpu.contract_precision<fp32>, transpose_lhs_hint = false} : vector<1000x128xf32>, vector<128x256xf32>, vector<1000x256xf32> -> vector<1000x256xf32>
    %get3A_8 = arith.constant 1 : index
    %get3A_9 = arith.constant 0 : index
    %get3A_10 = arith.constant 0 : index
    %get3A_11 = vector.load %arg1[%get3A_8, %get3A_9, %get3A_10] : memref<2x1000x128xf32, #tpu.memory_space<vmem>>, vector<1x1000x128xf32>
    %get3A_12 = vector.shape_cast %get3A_11 : vector<1x1000x128xf32> to vector<1000x128xf32>
    %get3A_13 = arith.constant 128 : index
    %get3A_14 = arith.constant 0 : index
    %get3A_15 = vector.load %arg2[%get3A_13, %get3A_14] : memref<256x256xf32, #tpu.memory_space<vmem>>, vector<128x256xf32>
    %dot_general3A_16 = arith.constant dense<0.000000e+00> : vector<1000x256xf32>
    %dot_general3A_17 = tpu.matmul %get3A_12, %get3A_15, %dot_general3A_16 {dimension_numbers = #tpu.dot_dimension_numbers<[1], [0], [0], [1], [0, 0, 1, 1], [], []>, precision = #tpu.contract_precision<fp32>, transpose_lhs_hint = false} : vector<1000x128xf32>, vector<128x256xf32>, vector<1000x256xf32> -> vector<1000x256xf32>
    %add3A = arith.addf %dot_general3A_7, %dot_general3A_17 : vector<1000x256xf32>
    %get3A_18 = arith.constant 0 : index
    %get3A_19 = arith.constant 0 : index
    %get3A_20 = vector.load %arg3[%get3A_18, %get3A_19] : memref<1x256xf32, #tpu.memory_space<vmem>>, vector<1x256xf32>
    %get3A_21 = vector.shape_cast %get3A_20 : vector<1x256xf32> to vector<256xf32>
    %broadcast_in_dim3A = vector.shape_cast %get3A_21 : vector<256xf32> to vector<1x256xf32>
    %add3A_22 = vector.broadcast %broadcast_in_dim3A : vector<1x256xf32> to vector<1000x256xf32>
    %add3A_23 = arith.addf %add3A, %add3A_22 : vector<1000x256xf32>
    %max3A = arith.constant 0.000000e+00 : f32
    %max3A_24 = vector.broadcast %max3A : f32 to vector<1000x256xf32>
    %max3A_25 = arith.maximumf %add3A_23, %max3A_24 : vector<1000x256xf32>
    %slice3A = vector.extract_strided_slice %max3A_25 {offsets = [0, 0], sizes = [1000, 128], strides = [1, 1]} : vector<1000x256xf32> to vector<1000x128xf32>
    %swap3A = arith.constant 0 : index
    %swap3A_26 = arith.constant 0 : index
    %swap3A_27 = arith.constant 0 : index
    %swap3A_28 = vector.load %arg4[%swap3A, %swap3A_26, %swap3A_27] : memref<2x1000x128xf32, #tpu.memory_space<vmem>>, vector<1x1000x128xf32>
    %swap3A_29 = vector.shape_cast %swap3A_28 : vector<1x1000x128xf32> to vector<1000x128xf32>
    %swap3A_30 = vector.shape_cast %slice3A : vector<1000x128xf32> to vector<1x1000x128xf32>
    tpu.vector_store %arg4[%swap3A, %swap3A_26, %swap3A_27], %swap3A_30 {strides = array<i32>} : memref<2x1000x128xf32, #tpu.memory_space<vmem>>, vector<1x1000x128xf32>,
    %slice3A_31 = vector.extract_strided_slice %max3A_25 {offsets = [0, 128], sizes = [1000, 128], strides = [1, 1]} : vector<1000x256xf32> to vector<1000x128xf32>
    %swap3A_32 = arith.constant 1 : index
    %swap3A_33 = arith.constant 0 : index
    %swap3A_34 = arith.constant 0 : index
    %swap3A_35 = vector.load %arg4[%swap3A_32, %swap3A_33, %swap3A_34] : memref<2x1000x128xf32, #tpu.memory_space<vmem>>, vector<1x1000x128xf32>
    %swap3A_36 = vector.shape_cast %swap3A_35 : vector<1x1000x128xf32> to vector<1000x128xf32>
    %swap3A_37 = vector.shape_cast %slice3A_31 : vector<1000x128xf32> to vector<1x1000x128xf32>
    tpu.vector_store %arg4[%swap3A_32, %swap3A_33, %swap3A_34], %swap3A_37 {strides = array<i32>} : memref<2x1000x128xf32, #tpu.memory_space<vmem>>, vector<1x1000x128xf32>,
    return
  }
  func.func @transform_0(%arg0: i32) -> (i32, i32, i32) {
    %c0_i32 = arith.constant 0 : i32
    %c0_i32_0 = arith.constant 0 : i32
    %c0_i32_1 = arith.constant 0 : i32
    return %c0_i32, %arg0, %c0_i32_0 : i32, i32, i32
  }
  func.func @transform_1(%arg0: i32) -> (i32, i32) {
    %c0_i32 = arith.constant 0 : i32
    %c0_i32_0 = arith.constant 0 : i32
    %c0_i32_1 = arith.constant 0 : i32
    return %c0_i32, %c0_i32_0 : i32, i32
  }
  func.func @transform_2(%arg0: i32) -> (i32, i32) {
    %c0_i32 = arith.constant 0 : i32
    %c0_i32_0 = arith.constant 0 : i32
    %c0_i32_1 = arith.constant 0 : i32
    return %c0_i32, %c0_i32_0 : i32, i32
  }
  func.func @transform_3(%arg0: i32) -> (i32, i32, i32) {
    %c0_i32 = arith.constant 0 : i32
    %c0_i32_0 = arith.constant 0 : i32
    %c0_i32_1 = arith.constant 0 : i32
    return %c0_i32, %arg0, %c0_i32_0 : i32, i32, i32
  }
}

</mosaic_0001>

<sc_bundles>
// kernel: body.11.cloned.1.call-start
scs
__scs_entry_jumppad:
0x0: {  	(pc) =	sbr.rel $0x88, $3  }
0x1: {  	(tag) =	ssettag $0x0;
	lr =	simm.s32 $0x1  }
0x2: {  	[smem:$0x3F98] =	sst lr;
	_ =	strace $0xD0000000  }
0x3: {  	_ = 	snop  }
0x4: {  	_ = 	snop  }
0x5: {  	_ = 	snop  }
0x6: {  	_ = 	snop  }
0x7: {  	_ = 	snop  }
__scs_overlays_trampoline_lowered:
0x8: {  	[smem:$0x3FA7] =	sst s0  }
0x9: {  	[smem:$0x3FA8] =	sst s1  }
0xa: {  	[smem:$0x3FA9] =	sst s2  }
0xb: {  	[smem:$0x3FAA] =	sst s3  }
0xc: {  	[smem:$0x3FAB] =	sst s4  }
0xd: {  	[smem:$0x3FAC] =	sst s5  }
0xe: {  	[smem:$0x3FAD] =	sst s6  }
0xf: {  	[smem:$0x3FAE] =	sst s7  }
0x10: {  	[smem:$0x3FAF] =	sst s8  }
0x11: {  	[smem:$0x3FB0] =	sst s9;
	s0 =	simm.s32 @!p0 $0x0  }
0x12: {  	s1 =	sld [smem:$0x3F96];
	s0 =	simm.s32 @p0 $0x1  }
0x13: {  	[smem:$0x3FB1] =	sst s0;
	s0 =	simm.s32 @!p1 $0x0  }
0x14: {  	s2 =	sld [smem:$0x3F95];
	s0 =	simm.s32 @p1 $0x1  }
0x15: {  	[smem:$0x3FB2] =	sst s0;
	s0 =	simm.s32 @!p2 $0x0  }
0x16: {  	s3 =	sld [smem:$0x3FDB];
	s0 =	simm.s32 @p2 $0x1  }
0x17: {  	s4 =	simm.s32 $0x1BF5;
	[smem:$0x3FB4] =	sst s0  }
0x18: {  	s0 =	sld [smem:$0x3F97];
	_ =	swait.ge [sflag:s4], $0x0  }
0x19: {  	s7 =	sld [smem:$0x3F98]  }
0x1a: {  	s8 =	sadd.s32 $0xFFFFE003, lr  }
0x1b: {  	s9 =	sadd.s32 $0xFFFFFEF7, lr;
	s5 =	simm.s32 $0xFFFFFFFF;
	p2 =	slt.u32 s8, $0xFFFFF086  }
0x1c: {  	p1 =	slt.u32 s9, $0xF7A;
	s5 =	simm.s32 @!p2 $0x0  }
0x1d: {  	s5 =	simm.s32 @p1 $0x1;
	p0 =	seq.s32 s7, s2  }
0x1e: {  	s7 =	smul.u32 @!p0 $0xF7A, s2;
	p2 =	seq.s32 @!p0 s5, $0x0  }
0x1f: {  	s9 =	smul.u32 $0xF7A, s1;
	s8 =	simm.s32 @!p0 $0x1BF5;
	p2 =	por !p2, p0  }
0x20: {  	[sflag:s8] =	ssyncset.s32 @!p0 $0xFFFFF086;
	s6 =	sadd.s32 @!p0 s3, s7;
	s7 =	simm.s32 @!p0 $0x108  }
0x21: {  	s3 =	sadd.s32 s3, s9;
	s6 =	sadd.s32 @!p0 $0x88, s6;
	s7 =	simm.s32 @p2 $0x1082  }
0x22: {  	[simem:s7], [sflag:s8] =	dma.local @!p0 [hbm:s6], $0xF7A  }
0x23: {  	s9 =	sor.u32 $0xD0000000, s2;
	s6 =	simm.s32 $0x108;
	_ =	swait.ge @!p0 [sflag:s8], $0x0  }
0x24: {  	s3 =	sadd.s32 $0x88, s3;
	s6 =	simm.s32 @!p1 $0x1082;
	[sflag:s4] =	ssyncset.s32 $0xFFFFF086  }
0x25: {  	[simem:s6], [sflag:s4] =	dma.local [hbm:s3], $0xF7A  }
0x26: {  	[smem:$0x3F98] =	sst s1;
	(tag) =	ssettag s2;
	_ =	strace s9  }
0x27: {  	s1 =	sld [smem:$0x3FA8]  }
0x28: {  	s2 =	sld [smem:$0x3FA9]  }
0x29: {  	s4 =	sld [smem:$0x3FAB]  }
0x2a: {  	p0 =	seq.s32 s5, $0x0;
	s5 =	sld [smem:$0x3FAC]  }
0x2b: {  	s6 =	sld [smem:$0x3FAD]  }
0x2c: {  	s7 =	sld [smem:$0x3FAE]  }
0x2d: {  	s3 =	simm.s32 $0x108;
	s8 =	sld [smem:$0x3FAF]  }
0x2e: {  	s3 =	simm.s32 @!p0 $0x1082;
	s9 =	sld [smem:$0x3FB0]  }
0x2f: {  	lr =	sadd.s32 s0, s3;
	s0 =	sld [smem:$0x3FA7]  }
0x30: {  	s3 =	sld [smem:$0x3FAA]  }
0x31: {  	[smem:$0x3FB3] =	sst s10  }
0x32: {  	s10 =	sld [smem:$0x3FB1];
	_ =	sdelay $0x3  }
0x33: {  	p0 =	seq.s32 s10, $0x1;
	s10 =	sld [smem:$0x3FB3];
	_ =	sdelay $0x3  }
0x34: {  	[smem:$0x3FB3] =	sst s10  }
0x35: {  	s10 =	sld [smem:$0x3FB2];
	_ =	sdelay $0x3  }
0x36: {  	p1 =	seq.s32 s10, $0x1;
	s10 =	sld [smem:$0x3FB3];
	_ =	sdelay $0x3  }
0x37: {  	[smem:$0x3FB3] =	sst s10  }
0x38: {  	s10 =	sld [smem:$0x3FB4]  }
0x39: {  	_ = 	snop;
	(pc) =	sbr.ind lr, $3  }
0x3a: {  	_ = 	snop  }
0x3b: {  	_ = 	snop  }
0x3c: {  	p2 =	seq.s32 s10, $0x1;
	s10 =	sld [smem:$0x3FB3]  }
0x3d: {  	_ =	shalt  }
0x3e: {  	_ =	shalt  }
0x3f: {  	_ =	shalt  }
0x40: {  	_ =	shalt  }
0x41: {  	_ =	shalt  }
0x42: {  	_ =	shalt  }
0x43: {  	_ =	shalt  }
0x44: {  	_ =	shalt  }
0x45: {  	_ =	shalt  }
0x46: {  	_ =	shalt  }
0x47: {  	_ =	shalt  }
0x48: {  	_ =	shalt  }
0x49: {  	_ =	shalt  }
0x4a: {  	_ =	shalt  }
0x4b: {  	_ =	shalt  }
0x4c: {  	_ =	shalt  }
0x4d: {  	_ =	shalt  }
0x4e: {  	_ =	shalt  }
0x4f: {  	_ =	shalt  }
0x50: {  	_ =	shalt  }
0x51: {  	_ =	shalt  }
0x52: {  	_ =	shalt  }
0x53: {  	_ =	shalt  }
0x54: {  	_ =	shalt  }
0x55: {  	_ =	shalt  }
0x56: {  	_ =	shalt  }
0x57: {  	_ =	shalt  }
0x58: {  	_ =	shalt  }
0x59: {  	_ =	shalt  }
0x5a: {  	_ =	shalt  }
0x5b: {  	_ =	shalt  }
0x5c: {  	_ =	shalt  }
0x5d: {  	_ =	shalt  }
0x5e: {  	_ =	shalt  }
0x5f: {  	_ =	shalt  }
0x60: {  	_ =	shalt  }
0x61: {  	_ =	shalt  }
0x62: {  	_ =	shalt  }
0x63: {  	_ =	shalt  }
0x64: {  	_ =	shalt  }
0x65: {  	_ =	shalt  }
0x66: {  	_ =	shalt  }
0x67: {  	_ =	shalt  }
0x68: {  	_ =	shalt  }
0x69: {  	_ =	shalt  }
0x6a: {  	_ =	shalt  }
0x6b: {  	_ =	shalt  }
0x6c: {  	_ =	shalt  }
0x6d: {  	_ =	shalt  }
0x6e: {  	_ =	shalt  }
0x6f: {  	_ =	shalt  }
0x70: {  	_ =	shalt  }
0x71: {  	_ =	shalt  }
0x72: {  	_ =	shalt  }
0x73: {  	_ =	shalt  }
0x74: {  	_ =	shalt  }
0x75: {  	_ =	shalt  }
0x76: {  	_ =	shalt  }
0x77: {  	_ =	shalt  }
0x78: {  	_ =	shalt  }
0x79: {  	_ =	shalt  }
0x7a: {  	_ =	shalt  }
0x7b: {  	_ =	shalt  }
0x7c: {  	_ =	shalt  }
0x7d: {  	_ =	shalt  }
0x7e: {  	_ =	shalt  }
0x7f: {  	_ =	shalt  }
0x80: {  	_ =	shalt  }
0x81: {  	_ =	shalt  }
0x82: {  	_ =	shalt  }
0x83: {  	_ =	shalt  }
0x84: {  	_ =	shalt  }
0x85: {  	_ =	shalt  }
0x86: {  	_ =	shalt  }
0x87: {  	_ =	shalt  }
.Lfunc_end0:
.L_simem_size_0:
called_computation_lowered:
.L_overlay_start_0:
0x88: {  	s2 =	sld [smem:$0x3FD9]  }
0x89: {  	s3 =	sld [smem:$0x3FFE];
	_ =	sdelay $0x1  }
0x8a: {  	s1 =	srdreg.scid  }
0x8b: {  	s0 =	sand.u32 $0x1, s1  }
0x8c: {  	s16 =	sshll.u32 s0, $0xA;
	s2 =	sadd.s32 s3, s2  }
0x8d: {  	s2 =	sadd.s32 s2, s16  }
0x8e: {  	[smem:$0x3FBF] =	sst s2  }
0x8f: {  	_ = 	snop  }
0x90: {  	(tm) =	ssettm $0x1  }
0x91: {  	s17 =	sld [smem:$0x3FFB];
	_ =	sdelay $0x3  }
0x92: {  	_ =	strace s17  }
0x93: {  	s2 =	sld [smem:$0x3FFC];
	_ =	sdelay $0x3  }
0x94: {  	_ =	strace s2  }
0x95: {  	s2 =	sld [smem:$0x3FFD];
	_ =	sdelay $0x3  }
0x96: {  	_ =	strace s2  }
0x97: {  	_ =	strace $0x8FFFFFFF  }
0x98: {  	s18 =	sld [smem:$0x3FDB];
	_ =	sdelay $0x1  }
0x99: {  	s19 =	simm.s32 $_scs_section_size  }
0x9a: {  	s4 =	simm.s32 $_size__tile_overlayer_lowered;
	s5 =	simm.s32 $_tile_overlayer_lowered  }
0x9b: {  	s22 =	simm.s32 $0x1BFF;
	s21 =	sshll.u32 s5, $0x1;
	s2 =	sadd.s32 s19, s18  }
0x9c: {  	s6 =	simm.s32 $0x0;
	s20 =	sshll.u32 s4, $0x1;
	s4 =	sadd.s32 s21, s2  }
0x9d: {  	[timem:s6], [sflag:s22] =	dma.local [hbm:s4], s20  }
0x9e: {  	_ =	swait.ge [sflag:s22], s20  }
0x9f: {  	s3 =	ssub.s32 $0x0, s20;
	[sflag:s22] =	ssyncset.done $0x0  }
0xa0: {  	[sflag:s22] =	ssyncadd.s32 s3;
	_ =	sdelay $0x1  }
0xa1: {  	s23 =	simm.s32 $0x1B8B  }
0xa2: {  	_ =	swait.ge [sflag:s23], $0x1  }
0xa3: {  	[sflag:s23] =	ssyncset.done $0x0  }
0xa4: {  	s25 =	simm.s32 $0x1B8E;
	s24 =	sld [smem:$0x3FFE];
	[sflag:s23] =	ssyncadd.s32 $0xFFFFFFFF  }
0xa5: {  	s26 =	simm.s32 $execute0_lowered;
	[smem:$0x3FD2] =	sst s25  }
0xa6: {  	s4 =	sshll.u32 s26, $0x1;
	_ =	strace $0x8000004F;
	[dreg:$0x1] =	wrdreg $0xFFFFFFFF  }
0xa7: {  	s28 =	simm.s32 $_size_execute0_lowered;
	s2 =	sadd.s32 s2, s4;
	[dreg:$0x0] =	wrdreg $0x0  }
0xa8: {  	s4 =	sshll.u32 s28, $0x1;
	[dreg:$0x2] =	wrdreg s2  }
0xa9: {  	[dreg:$0x3] =	wrdreg s4  }
0xaa: {  	[dreg:$0x4] =	wrdreg $0xC0  }
0xab: {  	_ =	task [dreg:s6], $0x5FFFF  }
0xac: {  	[dreg:$0x1] =	wrdreg $0xFFFFFFFF  }
0xad: {  	[dreg:$0x0] =	wrdreg $0x60  }
0xae: {  	[dreg:$0x2] =	wrdreg s24  }
0xaf: {  	[dreg:$0x3] =	wrdreg $0xA5000  }
0xb0: {  	[dreg:$0x4] =	wrdreg $0x9  }
0xb1: {  	_ =	task.clear_ibuf [dreg:s6], $0x5FFFF;
	_ =	strace $0x9000004F  }
0xb2: {  	s29 =	simm.s32 $0x9;
	_ =	strace $0x80000051  }
0xb3: {  	_ =	swait.ge [sflag:s29], $0x1  }
0xb4: {  	[sflag:s29] =	ssyncadd.s32 $0xFFFFFFFF  }
0xb5: {  	_ =	strace $0x90000051  }
0xb6: {  	_ =	sfence  }
0xb7: {  	s30 =	sld [smem:$0x0];
	_ =	sdelay $0x2  }
0xb8: {  	s31 =	sshll.u32 s1, $0xD;
	s1 =	sshrl.u32 s1, $0x2  }
0xb9: {  	s3 =	sand.u32 $0x4000, s31;
	s1 =	sadd.s32 s1, s30  }
0xba: {  	s0 =	sor.u32 s3, s0;
	s1 =	sshll.u32 s1, $0x11  }
0xbb: {  	s0 =	sor.u32 s1, s0  }
0xbc: {  	s0 =	sadd.s32 $0x8F2B, s0  }
0xbd: {  	[sflag:s0] =	ssyncadd.remote.s32 $0x1  }
0xbe: {  	_ =	sfence.sel $0xFFFF  }
0xbf: {  	[dreg:$0x0] =	wrdreg $0xFFFFFFFF;
	(pc) =	sbr.abs _section_cstart, $3  }
0xc0: {  	[dreg:$0x1] =	wrdreg $0xFFFFFFFF  }
0xc1: {  	_ =	task.clear_ibuf [dreg:s6], $0x2FFFF;
	_ =	strace $0x9FFFFFFF  }
0xc2: {  	(tm) =	ssettm $0x7FFFFFFF  }
0xc3: {  	_ =	shalt  }
tec
execute0_lowered:
.L_overlay_start_1:
0x0: {  	(tag) =	ssettag $0x1  }
0x1: {  	s4 =	rddreg [dreg:$0x0]  }
0x2: {  	s2 =	rddreg [dreg:$0x1];
	s5 =	srdreg.scid;
	s3 =	simm.s32 $0x0  }
0x3: {  	s0 =	stileid.u32;
	s23 =	simm.s32 $0x4100;
	s24 =	simm.s32 $0x2  }
0x4: {  	s25 =	simm.s32 $0x0;
	s5 =	sand.u32 $0x1, s5;
	s8 =	smul.u32 $0x19000, s0  }
0x5: {  	[smem:$0x7FF] =	sst s3;
	s6 =	sshll.u32 s0, $0x4;
	s7 =	smul.u32 $0x27100, s5  }
0x6: {  	s9 =	sor.u32 $0x10, s0;
	s21 =	sadd.s32 s6, s4;
	s6 =	smul.u32 $0xC80, s0  }
0x7: {  	s19 =	sadd.s32 $0x5A600, s4;
	s12 =	sor.u32 $0x20, s0;
	s11 =	smul.u32 $0x19000, s9  }
0x8: {  	s13 =	sshll.u32 s0, $0x6;
	s22 =	sor.u32 $0x30, s0;
	s9 =	smul.u32 $0xC80, s9  }
0x9: {  	_ =	strace $0x80000050;
	s5 =	ssub.s32 $0x2, s5;
	s15 =	smul.u32 $0x19000, s12  }
0xa: {  	s18 =	smul.u32 $0x19000, s22;
	p0 =	sgt.u32 s22, $0x31;
	s30 =	sshrl.u32 s5, $0x1  }
0xb: {  	s8 =	sshrl.u32 s8, $0x2;
	s20 =	sadd.s32 $0x2400, s21;
	s21 =	sadd.s32 $0x7400, s21  }
0xc: {  	s29 =	sadd.s32 s7, s4;
	s31 =	ssub.s32 s5, s30;
	s8 =	sadd.s32 s8, s2  }
0xd: {  	s10 =	sadd.s32 s19, s6;
	s14 =	sshrl.u32 s11, $0x2;
	s11 =	smul.u32 $0xC80, s12  }
0xe: {  	s12 =	sor.u32 $0x1C01, s13;
	s16 =	sshrl.u32 s15, $0x2;
	s15 =	smul.u32 $0xC80, s22  }
0xf: {  	s18 =	sshrl.u32 s18, $0x2;
	s22 =	simm.s32 $0x1;
	s4 =	sadd.s32 $0xC400, s29  }
0x10: {  	s5 =	sadd.s32 $0x12DA00, s29;
	s1 =	smax.u32 s31, $0x1;
	s13 =	sadd.s32 s14, s2  }
0x11: {  	s14 =	sadd.s32 s19, s9;
	s16 =	sadd.s32 s16, s2;
	s18 =	sadd.s32 s18, s2  }
0x12: {  	[dreg:$0x3] =	wrdreg s1;
	s17 =	sadd.s32 s19, s11;
	s19 =	sadd.s32 s19, s15  }
.LBB2_1:
0x13: {  	s26 =	sshrl.u32 s8, $0x3  }
0x14: {  	[spmem:s26], [sflag:s12] =	dma.local [hbm:s10], $0xC80  }
0x15: {  	_ =	swait.ge [sflag:s22], $0xC80  }
0x16: {  	[sflag:s22] =	ssyncset.done $0x0  }
0x17: {  	s7 =	sshrl.u32 s13, $0x3;
	[sflag:s22] =	ssyncadd.s32 $0xFFFFF380  }
0x18: {  	[spmem:s7], [sflag:s12] =	dma.local [hbm:s14], $0xC80  }
0x19: {  	_ =	swait.ge [sflag:s22], $0xC80  }
0x1a: {  	[sflag:s22] =	ssyncset.done $0x0  }
0x1b: {  	s31 =	sshrl.u32 s16, $0x3;
	[sflag:s22] =	ssyncadd.s32 $0xFFFFF380  }
0x1c: {  	[spmem:s31], [sflag:s12] =	dma.local [hbm:s17], $0xC80  }
0x1d: {  	_ =	swait.ge [sflag:s22], $0xC80  }
0x1e: {  	[sflag:s22] =	ssyncset.done $0x0  }
0x1f: {  	s26 =	sshrl.u32 @!p0 s18, $0x3;
	[sflag:s22] =	ssyncadd.s32 $0xFFFFF380  }
0x20: {  	[spmem:s26], [sflag:s12] =	dma.local @!p0 [hbm:s19], $0xC80  }
0x21: {  	s26 =	simm.s32 @!p0 $0x1  }
0x22: {  	s0 =	stileid.u32;
	_ =	swait.ge @!p0 [sflag:s26], $0xC80  }
0x23: {  	p1 =	sgt.u32 s0, $0x4E1;
	[sflag:s26] =	ssyncset.done @!p0 $0x0  }
0x24: {  	s28 =	simm.s32 @!p1 $0x0;
	[sflag:s26] =	ssyncadd.s32 @!p0 $0xFFFFF380  }
0x25: {  	s29 =	simm.s32 @!p1 $0x2;
	s26 =	sadd.s32 @!p1 $0x0, s21;
	[bflag:$0x0] =	sbarrier.arrive $0xFFFF  }
0x26: {  	[tilespmem:s28], [sflag:$0x2] =	stream.linear.gather @!p1 [hbm4b:s26+s28], $0x80, $0x38;
	[tilespmem:$0x1DD80] =	vst v63  }
0x27: {  	_ =	swait.ge @!p1 [sflag:s29], $0x80;
	p1 =	por p1, p1  }
0x28: {  	[sflag:s29] =	ssyncset.done @!p1 $0x0  }
0x29: {  	s26 =	sadd.s32 @!p1 $0x0, s20;
	s30 =	simm.s32 @!p1 $0x80;
	[sflag:s29] =	ssyncadd.s32 @!p1 $0xFFFFFF80  }
0x2a: {  	[tilespmem:s30], [sflag:$0x2] =	stream.linear.gather @!p1 [hbm4b:s26+s28], $0x80, $0x38;
	[tilespmem:$0x1DD80] =	vst v63  }
0x2b: {  	_ =	swait.ge @!p1 [sflag:s29], $0x80  }
0x2c: {  	[sflag:s29] =	ssyncset.done @!p1 $0x0  }
0x2d: {  	s26 =	simm.s32 @!p1 $0x100;
	[sflag:s29] =	ssyncadd.s32 @!p1 $0xFFFFFF80  }
0x2e: {  	[tilespmem:s26], [sflag:$0x2] =	stream.indirect.gather @!p1 [hbm4b:s4+s30], $0x80, s28, s30, $0xb8;
	[tilespmem:$0x1DD80] =	vst v63  }
0x2f: {  	_ =	swait.ge @!p1 [sflag:s29], $0x4000  }
0x30: {  	[sflag:s29] =	ssyncset.done @!p1 $0x0  }
0x31: {  	s28 =	sadd.s32 $0x10, s0;
	[sflag:s29] =	ssyncadd.s32 @!p1 $0xFFFFC000  }
0x32: {  	[spmem:s2] =	stream.indirect.scatter.add.f32 @!p1 [tilespmem:s26], [sflag:$0x1], $0x80, s30, s30, $0xb8;
	[tilespmem:$0x1DD80] =	vst v63  }
0x33: {  	p3 =	sgt.u32 s28, $0x4E1;
	s30 =	simm.s32 @!p1 $0x1  }
0x34: {  	s29 =	simm.s32 $0x200;
	s26 =	simm.s32 $0x100;
	_ =	swait.ge @!p1 [sflag:s30], $0x4000  }
.LBB2_2:
0x35: {  	s31 =	sadd.s32 @!p3 s26, s21  }
0x36: {  	s0 =	simm.s32 @!p3 $0x0;
	[sflag:s30] =	ssyncset.done @!p1 $0x0;
	s7 =	smov.u32 s29  }
0x37: {  	s29 =	sadd.s32 $0x100, s29;
	s1 =	simm.s32 @!p3 $0x2;
	[sflag:s30] =	ssyncadd.s32 @!p1 $0xFFFFC000  }
0x38: {  	[tilespmem:s0], [sflag:$0x2] =	stream.linear.gather @!p3 [hbm4b:s31+s0], $0x80, $0x38;
	[tilespmem:$0x1DD80] =	vst v63  }
0x39: {  	p2 =	sne.s32 s29, $0x4F00;
	p1 =	por p3, p3;
	_ =	swait.ge @!p3 [sflag:s1], $0x80  }
0x3a: {  	[sflag:s1] =	ssyncset.done @!p1 $0x0  }
0x3b: {  	s26 =	sadd.s32 @!p1 s26, s20;
	s31 =	simm.s32 @!p1 $0x80;
	[sflag:s1] =	ssyncadd.s32 @!p1 $0xFFFFFF80  }
0x3c: {  	[tilespmem:s31], [sflag:$0x2] =	stream.linear.gather @!p1 [hbm4b:s26+s0], $0x80, $0x38;
	[tilespmem:$0x1DD80] =	vst v63  }
0x3d: {  	s26 =	smov.u32 s7;
	_ =	swait.ge @!p1 [sflag:s1], $0x80  }
0x3e: {  	[sflag:s1] =	ssyncset.done @!p1 $0x0  }
0x3f: {  	s7 =	simm.s32 @!p1 $0x100;
	[sflag:s1] =	ssyncadd.s32 @!p1 $0xFFFFFF80  }
0x40: {  	[tilespmem:s7], [sflag:$0x2] =	stream.indirect.gather @!p1 [hbm4b:s4+s31], $0x80, s0, s31, $0xb8;
	[tilespmem:$0x1DD80] =	vst v63  }
.Ltmp0:
0x41: {  	_ =	swait.ge @!p1 [sflag:s1], $0x4000;
	(pc) =	sbr.rel @p2 .LBB2_2-.Ltmp0, $4  }
0x42: {  	[sflag:s1] =	ssyncset.done @!p1 $0x0  }
0x43: {  	s28 =	sadd.s32 $0x10, s28;
	s30 =	simm.s32 @!p1 $0x1;
	[sflag:s1] =	ssyncadd.s32 @!p1 $0xFFFFC000  }
0x44: {  	[spmem:s2] =	stream.indirect.scatter.add.f32 @!p1 [tilespmem:s7], [sflag:$0x1], $0x80, s31, s31, $0xb8;
	[tilespmem:$0x1DD80] =	vst v63  }
0x45: {  	p3 =	sgt.u32 s28, $0x4E1;
	_ =	swait.ge @!p1 [sflag:s30], $0x4000  }
0x46: {  	s0 =	sadd.s32 @!p3 s26, s21;
	[sflag:s30] =	ssyncset.done @!p1 $0x0  }
0x47: {  	s1 =	simm.s32 @!p3 $0x0;
	s7 =	simm.s32 @!p3 $0x2;
	[sflag:s30] =	ssyncadd.s32 @!p1 $0xFFFFC000  }
0x48: {  	[tilespmem:s1], [sflag:$0x2] =	stream.linear.gather @!p3 [hbm4b:s0+s1], $0x80, $0x38;
	[tilespmem:$0x1DD80] =	vst v63  }
0x49: {  	p1 =	por p3, p3;
	_ =	swait.ge @!p3 [sflag:s7], $0x80  }
0x4a: {  	[sflag:s7] =	ssyncset.done @!p1 $0x0  }
0x4b: {  	s0 =	sadd.s32 @!p1 s26, s20;
	s26 =	simm.s32 @!p1 $0x80;
	[sflag:s7] =	ssyncadd.s32 @!p1 $0xFFFFFF80  }
0x4c: {  	[tilespmem:s26], [sflag:$0x2] =	stream.linear.gather @!p1 [hbm4b:s0+s1], $0x80, $0x38;
	[tilespmem:$0x1DD80] =	vst v63  }
0x4d: {  	_ =	swait.ge @!p1 [sflag:s7], $0x80  }
0x4e: {  	[sflag:s7] =	ssyncset.done @!p1 $0x0  }
0x4f: {  	s0 =	simm.s32 @!p1 $0x100;
	[sflag:s7] =	ssyncadd.s32 @!p1 $0xFFFFFF80  }
0x50: {  	[tilespmem:s0], [sflag:$0x2] =	stream.indirect.gather @!p1 [hbm4b:s4+s26], $0x80, s1, s26, $0xb8;
	[tilespmem:$0x1DD80] =	vst v63  }
0x51: {  	_ =	swait.ge @!p1 [sflag:s7], $0x4000  }
0x52: {  	[sflag:s7] =	ssyncset.done @!p1 $0x0  }
0x53: {  	s1 =	simm.s32 @!p1 $0x1;
	[sflag:s7] =	ssyncadd.s32 @!p1 $0xFFFFC000  }
0x54: {  	[spmem:s2] =	stream.indirect.scatter.add.f32 @!p1 [tilespmem:s0], [sflag:$0x1], $0x80, s26, s26, $0xb8;
	[tilespmem:$0x1DD80] =	vst v63  }
0x55: {  	_ =	swait.ge @!p1 [sflag:s1], $0x4000  }
0x56: {  	[sflag:s1] =	ssyncset.done @!p1 $0x0  }
0x57: {  	[sflag:s1] =	ssyncadd.s32 @!p1 $0xFFFFC000  }
0x58: {  	[bflag:$0x0] =	sbarrier.arrive $0xFFFF  }
0x59: {  	[tilespmem:s23], [sflag:$0x2] =	stream.linear.gather [spmem:s8], $0x6400, $0x38;
	[tilespmem:$0x1DD80] =	vst v63  }
0x5a: {  	_ =	swait.ge [sflag:s24], $0x6400  }
0x5b: {  	[sflag:s24] =	ssyncset.done $0x0  }
0x5c: {  	s28 =	sadd.s32 s6, s5;
	[sflag:s24] =	ssyncadd.s32 $0xFFFF9C00  }
0x5d: {  	[hbm4b:s28+s3] =	stream.linear.scatter [tilespmem:s23], [sflag:$0x1], $0x6400, $0x38;
	[tilespmem:$0x1DD80] =	vst v63  }
0x5e: {  	_ =	swait.ge [sflag:s22], $0x6400  }
0x5f: {  	[sflag:s22] =	ssyncset.done $0x0  }
0x60: {  	[sflag:s22] =	ssyncadd.s32 $0xFFFF9C00  }
0x61: {  	[tilespmem:s23], [sflag:$0x2] =	stream.linear.gather [spmem:s13], $0x6400, $0x38;
	[tilespmem:$0x1DD80] =	vst v63  }
0x62: {  	_ =	swait.ge [sflag:s24], $0x6400  }
0x63: {  	[sflag:s24] =	ssyncset.done $0x0  }
0x64: {  	s29 =	sadd.s32 s9, s5;
	[sflag:s24] =	ssyncadd.s32 $0xFFFF9C00  }
0x65: {  	[hbm4b:s29+s3] =	stream.linear.scatter [tilespmem:s23], [sflag:$0x1], $0x6400, $0x38;
	[tilespmem:$0x1DD80] =	vst v63  }
0x66: {  	_ =	swait.ge [sflag:s22], $0x6400  }
0x67: {  	[sflag:s22] =	ssyncset.done $0x0  }
0x68: {  	[sflag:s22] =	ssyncadd.s32 $0xFFFF9C00  }
0x69: {  	[tilespmem:s23], [sflag:$0x2] =	stream.linear.gather [spmem:s16], $0x6400, $0x38;
	[tilespmem:$0x1DD80] =	vst v63  }
0x6a: {  	_ =	swait.ge [sflag:s24], $0x6400  }
0x6b: {  	[sflag:s24] =	ssyncset.done $0x0  }
0x6c: {  	s30 =	sadd.s32 s11, s5;
	[sflag:s24] =	ssyncadd.s32 $0xFFFF9C00  }
0x6d: {  	[hbm4b:s30+s3] =	stream.linear.scatter [tilespmem:s23], [sflag:$0x1], $0x6400, $0x38;
	[tilespmem:$0x1DD80] =	vst v63  }
0x6e: {  	_ =	swait.ge [sflag:s22], $0x6400  }
0x6f: {  	[sflag:s22] =	ssyncset.done $0x0  }
0x70: {  	s0 =	simm.s32 @!p0 $0x4100;
	s1 =	simm.s32 @!p0 $0x2;
	[sflag:s22] =	ssyncadd.s32 $0xFFFF9C00  }
0x71: {  	[tilespmem:s0], [sflag:$0x2] =	stream.linear.gather @!p0 [spmem:s18], $0x6400, $0x38;
	[tilespmem:$0x1DD80] =	vst v63  }
0x72: {  	_ =	swait.ge @!p0 [sflag:s1], $0x6400  }
0x73: {  	[sflag:s1] =	ssyncset.done @!p0 $0x0  }
0x74: {  	s7 =	simm.s32 @!p0 $0x0;
	[sflag:s1] =	ssyncadd.s32 @!p0 $0xFFFF9C00;
	s1 =	sadd.s32 @!p0 s15, s5  }
0x75: {  	[hbm4b:s1+s7] =	stream.linear.scatter @!p0 [tilespmem:s0], [sflag:$0x1], $0x6400, $0x38;
	[tilespmem:$0x1DD80] =	vst v63  }
0x76: {  	s0 =	simm.s32 @!p0 $0x1  }
0x77: {  	_ =	swait.ge @!p0 [sflag:s0], $0x6400  }
0x78: {  	s25 =	sadd.s32 $0x1, s25;
	s31 =	rddreg [dreg:$0x3]  }
0x79: {  	p1 =	sne.s32 s25, s31  }
.Ltmp1:
0x7a: {  	_ = 	snop;
	(pc) =	sbr.rel @p1 .LBB2_1-.Ltmp1, $3  }
0x7b: {  	_ =	sdelay $0x1  }
0x7c: {  	[sflag:s0] =	ssyncset.done @!p0 $0x0  }
0x7d: {  	[sflag:s0] =	ssyncadd.s32 @!p0 $0xFFFF9C00  }
0x7e: {  	_ =	sfence.sel $0x180000  }
0x7f: {  	[bflag:$0x0] =	sbarrier.arrive $0xFFFF  }
0x80: {  	_ =	strace $0x90000050  }
0x81: {  	s0 =	stileid.u32;
	[bflag:$0x2] =	sbarrier.arrive $0xFFFF  }
0x82: {  	p0 =	sne.s32 s0, $0x0;
	s0 =	rddreg [dreg:$0x2]  }
0x83: {  	s0 =	sadd.s32 @!p0 $0x100000, s0  }
0x84: {  	[sflag:s0] =	ssyncadd.tile.s32 @!p0 $0x1;
	_ =	shalt  }
.Lfunc_end2:
_tile_overlayer_lowered:
.L_overlay_start_2:
0x85: {  	(tag) =	ssettag $0x2  }
0x86: {  	s0 =	rddreg [dreg:$0x0];
	s2 =	stileid.u32  }
0x87: {  	s1 =	rddreg [dreg:$0x1];
	p0 =	sne.s32 s2, $0x0  }
0x88: {  	s3 =	rddreg [dreg:$0x2];
	[bflag:$0x3] =	sbarrier.arrive $0xFFFF;
	s2 =	simm.s32 @!p0 $0x1C01  }
0x89: {  	[timem:s3], [sflag:s2] =	dma.local @!p0 [hbm:s0], s1  }
0x8a: {  	s0 =	simm.s32 @!p0 $0x1  }
0x8b: {  	_ =	swait.ge @!p0 [sflag:s0], s1  }
0x8c: {  	s1 =	ssub.s32 @!p0 $0x0, s1;
	[sflag:s0] =	ssyncset.done @!p0 $0x0  }
0x8d: {  	[sflag:s0] =	ssyncadd.s32 @!p0 s1  }
0x8e: {  	[bflag:$0x3] =	sbarrier.arrive $0xFFFF  }
0x8f: {  	_ =	shalt  }

// kernel: kernel.11.cloned.1.call-start
scs
__scs_entry_jumppad:
0x0: {  	(pc) =	sbr.rel $0x88, $3  }
0x1: {  	(tag) =	ssettag $0x0;
	lr =	simm.s32 $0x1  }
0x2: {  	[smem:$0x3F98] =	sst lr;
	_ =	strace $0xD0000000  }
0x3: {  	_ = 	snop  }
0x4: {  	_ = 	snop  }
0x5: {  	_ = 	snop  }
0x6: {  	_ = 	snop  }
0x7: {  	_ = 	snop  }
__scs_overlays_trampoline_lowered:
0x8: {  	[smem:$0x3FA7] =	sst s0  }
0x9: {  	[smem:$0x3FA8] =	sst s1  }
0xa: {  	[smem:$0x3FA9] =	sst s2  }
0xb: {  	[smem:$0x3FAA] =	sst s3  }
0xc: {  	[smem:$0x3FAB] =	sst s4  }
0xd: {  	[smem:$0x3FAC] =	sst s5  }
0xe: {  	[smem:$0x3FAD] =	sst s6  }
0xf: {  	[smem:$0x3FAE] =	sst s7  }
0x10: {  	[smem:$0x3FAF] =	sst s8  }
0x11: {  	[smem:$0x3FB0] =	sst s9;
	s0 =	simm.s32 @!p0 $0x0  }
0x12: {  	s1 =	sld [smem:$0x3F96];
	s0 =	simm.s32 @p0 $0x1  }
0x13: {  	[smem:$0x3FB1] =	sst s0;
	s0 =	simm.s32 @!p1 $0x0  }
0x14: {  	s2 =	sld [smem:$0x3F95];
	s0 =	simm.s32 @p1 $0x1  }
0x15: {  	[smem:$0x3FB2] =	sst s0;
	s0 =	simm.s32 @!p2 $0x0  }
0x16: {  	s3 =	sld [smem:$0x3FDB];
	s0 =	simm.s32 @p2 $0x1  }
0x17: {  	s4 =	simm.s32 $0x1BF5;
	[smem:$0x3FB4] =	sst s0  }
0x18: {  	s0 =	sld [smem:$0x3F97];
	_ =	swait.ge [sflag:s4], $0x0  }
0x19: {  	s7 =	sld [smem:$0x3F98]  }
0x1a: {  	s8 =	sadd.s32 $0xFFFFE003, lr  }
0x1b: {  	s9 =	sadd.s32 $0xFFFFFEF7, lr;
	s5 =	simm.s32 $0xFFFFFFFF;
	p2 =	slt.u32 s8, $0xFFFFF086  }
0x1c: {  	p1 =	slt.u32 s9, $0xF7A;
	s5 =	simm.s32 @!p2 $0x0  }
0x1d: {  	s5 =	simm.s32 @p1 $0x1;
	p0 =	seq.s32 s7, s2  }
0x1e: {  	s7 =	smul.u32 @!p0 $0xF7A, s2;
	p2 =	seq.s32 @!p0 s5, $0x0  }
0x1f: {  	s9 =	smul.u32 $0xF7A, s1;
	s8 =	simm.s32 @!p0 $0x1BF5;
	p2 =	por !p2, p0  }
0x20: {  	[sflag:s8] =	ssyncset.s32 @!p0 $0xFFFFF086;
	s6 =	sadd.s32 @!p0 s3, s7;
	s7 =	simm.s32 @!p0 $0x108  }
0x21: {  	s3 =	sadd.s32 s3, s9;
	s6 =	sadd.s32 @!p0 $0x88, s6;
	s7 =	simm.s32 @p2 $0x1082  }
0x22: {  	[simem:s7], [sflag:s8] =	dma.local @!p0 [hbm:s6], $0xF7A  }
0x23: {  	s9 =	sor.u32 $0xD0000000, s2;
	s6 =	simm.s32 $0x108;
	_ =	swait.ge @!p0 [sflag:s8], $0x0  }
0x24: {  	s3 =	sadd.s32 $0x88, s3;
	s6 =	simm.s32 @!p1 $0x1082;
	[sflag:s4] =	ssyncset.s32 $0xFFFFF086  }
0x25: {  	[simem:s6], [sflag:s4] =	dma.local [hbm:s3], $0xF7A  }
0x26: {  	[smem:$0x3F98] =	sst s1;
	(tag) =	ssettag s2;
	_ =	strace s9  }
0x27: {  	s1 =	sld [smem:$0x3FA8]  }
0x28: {  	s2 =	sld [smem:$0x3FA9]  }
0x29: {  	s4 =	sld [smem:$0x3FAB]  }
0x2a: {  	p0 =	seq.s32 s5, $0x0;
	s5 =	sld [smem:$0x3FAC]  }
0x2b: {  	s6 =	sld [smem:$0x3FAD]  }
0x2c: {  	s7 =	sld [smem:$0x3FAE]  }
0x2d: {  	s3 =	simm.s32 $0x108;
	s8 =	sld [smem:$0x3FAF]  }
0x2e: {  	s3 =	simm.s32 @!p0 $0x1082;
	s9 =	sld [smem:$0x3FB0]  }
0x2f: {  	lr =	sadd.s32 s0, s3;
	s0 =	sld [smem:$0x3FA7]  }
0x30: {  	s3 =	sld [smem:$0x3FAA]  }
0x31: {  	[smem:$0x3FB3] =	sst s10  }
0x32: {  	s10 =	sld [smem:$0x3FB1];
	_ =	sdelay $0x3  }
0x33: {  	p0 =	seq.s32 s10, $0x1;
	s10 =	sld [smem:$0x3FB3];
	_ =	sdelay $0x3  }
0x34: {  	[smem:$0x3FB3] =	sst s10  }
0x35: {  	s10 =	sld [smem:$0x3FB2];
	_ =	sdelay $0x3  }
0x36: {  	p1 =	seq.s32 s10, $0x1;
	s10 =	sld [smem:$0x3FB3];
	_ =	sdelay $0x3  }
0x37: {  	[smem:$0x3FB3] =	sst s10  }
0x38: {  	s10 =	sld [smem:$0x3FB4]  }
0x39: {  	_ = 	snop;
	(pc) =	sbr.ind lr, $3  }
0x3a: {  	_ = 	snop  }
0x3b: {  	_ = 	snop  }
0x3c: {  	p2 =	seq.s32 s10, $0x1;
	s10 =	sld [smem:$0x3FB3]  }
0x3d: {  	_ =	shalt  }
0x3e: {  	_ =	shalt  }
0x3f: {  	_ =	shalt  }
0x40: {  	_ =	shalt  }
0x41: {  	_ =	shalt  }
0x42: {  	_ =	shalt  }
0x43: {  	_ =	shalt  }
0x44: {  	_ =	shalt  }
0x45: {  	_ =	shalt  }
0x46: {  	_ =	shalt  }
0x47: {  	_ =	shalt  }
0x48: {  	_ =	shalt  }
0x49: {  	_ =	shalt  }
0x4a: {  	_ =	shalt  }
0x4b: {  	_ =	shalt  }
0x4c: {  	_ =	shalt  }
0x4d: {  	_ =	shalt  }
0x4e: {  	_ =	shalt  }
0x4f: {  	_ =	shalt  }
0x50: {  	_ =	shalt  }
0x51: {  	_ =	shalt  }
0x52: {  	_ =	shalt  }
0x53: {  	_ =	shalt  }
0x54: {  	_ =	shalt  }
0x55: {  	_ =	shalt  }
0x56: {  	_ =	shalt  }
0x57: {  	_ =	shalt  }
0x58: {  	_ =	shalt  }
0x59: {  	_ =	shalt  }
0x5a: {  	_ =	shalt  }
0x5b: {  	_ =	shalt  }
0x5c: {  	_ =	shalt  }
0x5d: {  	_ =	shalt  }
0x5e: {  	_ =	shalt  }
0x5f: {  	_ =	shalt  }
0x60: {  	_ =	shalt  }
0x61: {  	_ =	shalt  }
0x62: {  	_ =	shalt  }
0x63: {  	_ =	shalt  }
0x64: {  	_ =	shalt  }
0x65: {  	_ =	shalt  }
0x66: {  	_ =	shalt  }
0x67: {  	_ =	shalt  }
0x68: {  	_ =	shalt  }
0x69: {  	_ =	shalt  }
0x6a: {  	_ =	shalt  }
0x6b: {  	_ =	shalt  }
0x6c: {  	_ =	shalt  }
0x6d: {  	_ =	shalt  }
0x6e: {  	_ =	shalt  }
0x6f: {  	_ =	shalt  }
0x70: {  	_ =	shalt  }
0x71: {  	_ =	shalt  }
0x72: {  	_ =	shalt  }
0x73: {  	_ =	shalt  }
0x74: {  	_ =	shalt  }
0x75: {  	_ =	shalt  }
0x76: {  	_ =	shalt  }
0x77: {  	_ =	shalt  }
0x78: {  	_ =	shalt  }
0x79: {  	_ =	shalt  }
0x7a: {  	_ =	shalt  }
0x7b: {  	_ =	shalt  }
0x7c: {  	_ =	shalt  }
0x7d: {  	_ =	shalt  }
0x7e: {  	_ =	shalt  }
0x7f: {  	_ =	shalt  }
0x80: {  	_ =	shalt  }
0x81: {  	_ =	shalt  }
0x82: {  	_ =	shalt  }
0x83: {  	_ =	shalt  }
0x84: {  	_ =	shalt  }
0x85: {  	_ =	shalt  }
0x86: {  	_ =	shalt  }
0x87: {  	_ =	shalt  }
.Lfunc_end0:
.L_simem_size_0:
called_computation.3_lowered:
.L_overlay_start_0:
0x88: {  	s2 =	sld [smem:$0x3FD9]  }
0x89: {  	s3 =	sld [smem:$0x3FFE];
	_ =	sdelay $0x1  }
0x8a: {  	s1 =	srdreg.scid  }
0x8b: {  	s0 =	sand.u32 $0x1, s1  }
0x8c: {  	s17 =	sshll.u32 s0, $0xA;
	s2 =	sadd.s32 s3, s2  }
0x8d: {  	s2 =	sadd.s32 s2, s17  }
0x8e: {  	[smem:$0x3FBF] =	sst s2  }
0x8f: {  	_ = 	snop  }
0x90: {  	s2 =	sld [smem:$0x3FD0];
	(tm) =	ssettm $0x1  }
0x91: {  	s18 =	sld [smem:$0x3FFB];
	_ =	sdelay $0x3  }
0x92: {  	_ =	strace s18  }
0x93: {  	s3 =	sld [smem:$0x3FFC];
	_ =	sdelay $0x3  }
0x94: {  	_ =	strace s3  }
0x95: {  	s3 =	sld [smem:$0x3FFD];
	_ =	sdelay $0x3  }
0x96: {  	_ =	strace s3  }
0x97: {  	_ =	strace $0x8FFFFFFF  }
0x98: {  	s19 =	sld [smem:$0x3FDB];
	_ =	sdelay $0x1  }
0x99: {  	s4 =	simm.s32 $_scs_section_size  }
0x9a: {  	s5 =	simm.s32 $_size__tile_overlayer_lowered;
	s6 =	simm.s32 $_tile_overlayer_lowered  }
0x9b: {  	s22 =	simm.s32 $0x1BFF;
	s21 =	sshll.u32 s6, $0x1;
	s3 =	sadd.s32 s4, s19  }
0x9c: {  	s7 =	simm.s32 $0x0;
	s20 =	sshll.u32 s5, $0x1;
	s5 =	sadd.s32 s21, s3  }
0x9d: {  	[timem:s7], [sflag:s22] =	dma.local [hbm:s5], s20  }
0x9e: {  	_ =	swait.ge [sflag:s22], s20  }
0x9f: {  	s4 =	ssub.s32 $0x0, s20;
	[sflag:s22] =	ssyncset.done $0x0  }
0xa0: {  	[sflag:s22] =	ssyncadd.s32 s4;
	_ =	sdelay $0x1  }
0xa1: {  	s23 =	simm.s32 $0x1B8B  }
0xa2: {  	_ =	swait.ge [sflag:s23], $0x1  }
0xa3: {  	[sflag:s23] =	ssyncset.done $0x0  }
0xa4: {  	s25 =	simm.s32 $0x1B8E;
	s24 =	sld [smem:$0x3FFE];
	[sflag:s23] =	ssyncadd.s32 $0xFFFFFFFF  }
0xa5: {  	s26 =	simm.s32 $execute0_lowered;
	[smem:$0x3FD2] =	sst s25  }
0xa6: {  	s5 =	sshll.u32 s26, $0x1;
	_ =	strace $0x8000004C;
	[dreg:$0x1] =	wrdreg $0xFFFFFFFF  }
0xa7: {  	s28 =	simm.s32 $_size_execute0_lowered;
	s3 =	sadd.s32 s3, s5;
	[dreg:$0x0] =	wrdreg $0x0  }
0xa8: {  	s5 =	sshll.u32 s28, $0x1;
	[dreg:$0x2] =	wrdreg s3  }
0xa9: {  	[dreg:$0x3] =	wrdreg s5  }
0xaa: {  	[dreg:$0x4] =	wrdreg $0xC0  }
0xab: {  	_ =	task [dreg:s7], $0x5FFFF  }
0xac: {  	[dreg:$0x1] =	wrdreg $0xFFFFFFFF  }
0xad: {  	[dreg:$0x0] =	wrdreg $0x60  }
0xae: {  	[dreg:$0x2] =	wrdreg s24  }
0xaf: {  	[dreg:$0x3] =	wrdreg s2  }
0xb0: {  	[dreg:$0x4] =	wrdreg $0x9  }
0xb1: {  	_ =	task.clear_ibuf [dreg:s7], $0x5FFFF;
	_ =	strace $0x9000004C  }
0xb2: {  	s29 =	simm.s32 $0x9;
	_ =	strace $0x8000004E  }
0xb3: {  	_ =	swait.ge [sflag:s29], $0x1  }
0xb4: {  	[sflag:s29] =	ssyncadd.s32 $0xFFFFFFFF  }
0xb5: {  	_ =	strace $0x9000004E  }
0xb6: {  	_ =	sfence  }
0xb7: {  	s30 =	sld [smem:$0x0];
	_ =	sdelay $0x2  }
0xb8: {  	s31 =	sshll.u32 s1, $0xD;
	s1 =	sshrl.u32 s1, $0x2  }
0xb9: {  	s3 =	sand.u32 $0x4000, s31;
	s1 =	sadd.s32 s1, s30  }
0xba: {  	s0 =	sor.u32 s3, s0;
	s1 =	sshll.u32 s1, $0x11  }
0xbb: {  	s0 =	sor.u32 s1, s0  }
0xbc: {  	s0 =	sadd.s32 $0x8F2B, s0  }
0xbd: {  	[sflag:s0] =	ssyncadd.remote.s32 $0x1  }
0xbe: {  	_ =	sfence.sel $0xFFFF  }
0xbf: {  	[dreg:$0x0] =	wrdreg $0xFFFFFFFF;
	(pc) =	sbr.abs _section_cstart, $3  }
0xc0: {  	[dreg:$0x1] =	wrdreg $0xFFFFFFFF  }
0xc1: {  	_ =	task.clear_ibuf [dreg:s7], $0x2FFFF;
	_ =	strace $0x9FFFFFFF  }
0xc2: {  	(tm) =	ssettm $0x7FFFFFFF  }
0xc3: {  	_ =	shalt  }
tec
execute0_lowered:
.L_overlay_start_1:
0x0: {  	(tag) =	ssettag $0x1  }
0x1: {  	s2 =	stileid.u32  }
0x2: {  	p0 =	sne.s32 s2, $0x0  }
.Ltmp0:
0x3: {  	_ = 	snop;
	(pc) =	sbr.rel @p0 .LBB2_4-.Ltmp0, $4  }
0x4: {  	s4 =	rddreg [dreg:$0x0]  }
0x5: {  	s7 =	rddreg [dreg:$0x1];
	s1 =	simm.s32 $0x0  }
0x6: {  	[smem:$0x7FF] =	sst s1  }
0x7: {  	s0 =	rddreg [dreg:$0x2];
	_ =	strace $0x8000004D  }
0x8: {  	s2 =	srdreg.scid  }
0x9: {  	s3 =	sadd.s32 $0x12D800, s4;
	s8 =	sand.u32 $0x1, s2;
	s2 =	simm.s32 $0x1  }
0xa: {  	[tilespmem:s1], [sflag:$0x1] =	stream.linear.gather [hbm4b:s3+s1], $0x80, $0x38;
	[tilespmem:$0x880] =	vst v63  }
0xb: {  	s5 =	smul.u32 $0x27100, s8;
	_ =	swait.ge [sflag:s2], $0x80;
	s9 =	ssub.s32 $0x2, s8  }
0xc: {  	s6 =	simm.s32 $0x80;
	[sflag:s2] =	ssyncset.done $0x0;
	s10 =	sshrl.u32 s9, $0x1  }
0xd: {  	s30 =	sadd.s32 s5, s4;
	s5 =	simm.s32 $0x10;
	s9 =	ssub.s32 s9, s10  }
0xe: {  	[sflag:s2] =	ssyncadd.s32 $0xFFFFFF80;
	s4 =	sadd.s32 $0xDF400, s30;
	s31 =	smax.u32 s9, $0x1  }
0xf: {  	[tilespmem:s6], [sflag:$0x1] =	stream.indirect.gather [hbm4b:s4+s5], $0x80, s1, s5, $0xb8;
	[tilespmem:$0x880] =	vst v63  }
0x10: {  	p1 =	sne.s32 s31, $0x1;
	_ =	swait.ge [sflag:s2], $0x800  }
.Ltmp1:
0x11: {  	s8 =	sshll.u32 s8, $0x8;
	[sflag:s2] =	ssyncset.done $0x0;
	(pc) =	sbr.rel @!p1 .LBB2_3-.Ltmp1, $4  }
0x12: {  	s7 =	sadd.s32 s7, s8;
	[sflag:s2] =	ssyncadd.s32 $0xFFFFF800  }
0x13: {  	[hbm4b:s7+s1] =	stream.linear.scatter [tilespmem:s6], [sflag:$0x1], $0x800, $0x38;
	[tilespmem:$0x880] =	vst v63  }
0x14: {  	_ =	swait.ge [sflag:s2], $0x800  }
0x15: {  	s8 =	sadd.s32 $0xFFFFFFFF, s31;
	[sflag:s2] =	ssyncset.done $0x0  }
.LBB2_2:
0x16: {  	p1 =	sne.s32 s8, $0x1;
	s8 =	sadd.s32 $0xFFFFFFFF, s8;
	[sflag:s2] =	ssyncadd.s32 $0xFFFFF800  }
0x17: {  	[tilespmem:s1], [sflag:$0x1] =	stream.linear.gather [hbm4b:s3+s1], $0x80, $0x38;
	[tilespmem:$0x880] =	vst v63  }
0x18: {  	_ =	swait.ge [sflag:s2], $0x80  }
0x19: {  	[sflag:s2] =	ssyncset.done $0x0  }
0x1a: {  	[sflag:s2] =	ssyncadd.s32 $0xFFFFFF80  }
0x1b: {  	[tilespmem:s6], [sflag:$0x1] =	stream.indirect.gather [hbm4b:s4+s5], $0x80, s1, s5, $0xb8;
	[tilespmem:$0x880] =	vst v63  }
0x1c: {  	_ =	swait.ge [sflag:s2], $0x800  }
.Ltmp2:
0x1d: {  	[sflag:s2] =	ssyncset.done $0x0;
	(pc) =	sbr.rel @p1 .LBB2_2-.Ltmp2, $4  }
0x1e: {  	[sflag:s2] =	ssyncadd.s32 $0xFFFFF800  }
0x1f: {  	[hbm4b:s7+s1] =	stream.linear.scatter [tilespmem:s6], [sflag:$0x1], $0x800, $0x38;
	[tilespmem:$0x880] =	vst v63  }
0x20: {  	_ =	swait.ge [sflag:s2], $0x800  }
0x21: {  	[sflag:s2] =	ssyncset.done $0x0  }
.LBB2_3:
0x22: {  	[sflag:s2] =	ssyncadd.s32 $0xFFFFF800  }
.LBB2_4:
0x23: {  	_ =	sfence.sel $0x180000  }
0x24: {  	[bflag:$0x0] =	sbarrier.arrive $0xFFFF  }
0x25: {  	_ =	strace $0x9000004D  }
0x26: {  	s0 =	sadd.s32 @!p0 $0x100000, s0;
	[bflag:$0x2] =	sbarrier.arrive $0xFFFF  }
0x27: {  	[sflag:s0] =	ssyncadd.tile.s32 @!p0 $0x1;
	_ =	shalt  }
.Lfunc_end2:
_tile_overlayer_lowered:
.L_overlay_start_2:
0x28: {  	(tag) =	ssettag $0x2  }
0x29: {  	s0 =	rddreg [dreg:$0x0];
	s2 =	stileid.u32  }
0x2a: {  	s1 =	rddreg [dreg:$0x1];
	p0 =	sne.s32 s2, $0x0  }
0x2b: {  	s3 =	rddreg [dreg:$0x2];
	[bflag:$0x3] =	sbarrier.arrive $0xFFFF;
	s2 =	simm.s32 @!p0 $0x1C01  }
0x2c: {  	[timem:s3], [sflag:s2] =	dma.local @!p0 [hbm:s0], s1  }
0x2d: {  	s0 =	simm.s32 @!p0 $0x1  }
0x2e: {  	_ =	swait.ge @!p0 [sflag:s0], s1  }
0x2f: {  	s1 =	ssub.s32 @!p0 $0x0, s1;
	[sflag:s0] =	ssyncset.done @!p0 $0x0  }
0x30: {  	[sflag:s0] =	ssyncadd.s32 @!p0 s1  }
0x31: {  	[bflag:$0x3] =	sbarrier.arrive $0xFFFF  }
0x32: {  	_ =	shalt  }

// kernel: kernel.5.cloned.1.call-start
scs
__scs_entry_jumppad:
0x0: {  	(pc) =	sbr.rel $0x88, $3  }
0x1: {  	(tag) =	ssettag $0x0;
	lr =	simm.s32 $0x1  }
0x2: {  	[smem:$0x3F98] =	sst lr;
	_ =	strace $0xD0000000  }
0x3: {  	_ = 	snop  }
0x4: {  	_ = 	snop  }
0x5: {  	_ = 	snop  }
0x6: {  	_ = 	snop  }
0x7: {  	_ = 	snop  }
__scs_overlays_trampoline_lowered:
0x8: {  	[smem:$0x3FA7] =	sst s0  }
0x9: {  	[smem:$0x3FA8] =	sst s1  }
0xa: {  	[smem:$0x3FA9] =	sst s2  }
0xb: {  	[smem:$0x3FAA] =	sst s3  }
0xc: {  	[smem:$0x3FAB] =	sst s4  }
0xd: {  	[smem:$0x3FAC] =	sst s5  }
0xe: {  	[smem:$0x3FAD] =	sst s6  }
0xf: {  	[smem:$0x3FAE] =	sst s7  }
0x10: {  	[smem:$0x3FAF] =	sst s8  }
0x11: {  	[smem:$0x3FB0] =	sst s9;
	s0 =	simm.s32 @!p0 $0x0  }
0x12: {  	s1 =	sld [smem:$0x3F96];
	s0 =	simm.s32 @p0 $0x1  }
0x13: {  	[smem:$0x3FB1] =	sst s0;
	s0 =	simm.s32 @!p1 $0x0  }
0x14: {  	s2 =	sld [smem:$0x3F95];
	s0 =	simm.s32 @p1 $0x1  }
0x15: {  	[smem:$0x3FB2] =	sst s0;
	s0 =	simm.s32 @!p2 $0x0  }
0x16: {  	s3 =	sld [smem:$0x3FDB];
	s0 =	simm.s32 @p2 $0x1  }
0x17: {  	s4 =	simm.s32 $0x1BF5;
	[smem:$0x3FB4] =	sst s0  }
0x18: {  	s0 =	sld [smem:$0x3F97];
	_ =	swait.ge [sflag:s4], $0x0  }
0x19: {  	s7 =	sld [smem:$0x3F98]  }
0x1a: {  	s8 =	sadd.s32 $0xFFFFE003, lr  }
0x1b: {  	s9 =	sadd.s32 $0xFFFFFEF7, lr;
	s5 =	simm.s32 $0xFFFFFFFF;
	p2 =	slt.u32 s8, $0xFFFFF086  }
0x1c: {  	p1 =	slt.u32 s9, $0xF7A;
	s5 =	simm.s32 @!p2 $0x0  }
0x1d: {  	s5 =	simm.s32 @p1 $0x1;
	p0 =	seq.s32 s7, s2  }
0x1e: {  	s7 =	smul.u32 @!p0 $0xF7A, s2;
	p2 =	seq.s32 @!p0 s5, $0x0  }
0x1f: {  	s9 =	smul.u32 $0xF7A, s1;
	s8 =	simm.s32 @!p0 $0x1BF5;
	p2 =	por !p2, p0  }
0x20: {  	[sflag:s8] =	ssyncset.s32 @!p0 $0xFFFFF086;
	s6 =	sadd.s32 @!p0 s3, s7;
	s7 =	simm.s32 @!p0 $0x108  }
0x21: {  	s3 =	sadd.s32 s3, s9;
	s6 =	sadd.s32 @!p0 $0x88, s6;
	s7 =	simm.s32 @p2 $0x1082  }
0x22: {  	[simem:s7], [sflag:s8] =	dma.local @!p0 [hbm:s6], $0xF7A  }
0x23: {  	s9 =	sor.u32 $0xD0000000, s2;
	s6 =	simm.s32 $0x108;
	_ =	swait.ge @!p0 [sflag:s8], $0x0  }
0x24: {  	s3 =	sadd.s32 $0x88, s3;
	s6 =	simm.s32 @!p1 $0x1082;
	[sflag:s4] =	ssyncset.s32 $0xFFFFF086  }
0x25: {  	[simem:s6], [sflag:s4] =	dma.local [hbm:s3], $0xF7A  }
0x26: {  	[smem:$0x3F98] =	sst s1;
	(tag) =	ssettag s2;
	_ =	strace s9  }
0x27: {  	s1 =	sld [smem:$0x3FA8]  }
0x28: {  	s2 =	sld [smem:$0x3FA9]  }
0x29: {  	s4 =	sld [smem:$0x3FAB]  }
0x2a: {  	p0 =	seq.s32 s5, $0x0;
	s5 =	sld [smem:$0x3FAC]  }
0x2b: {  	s6 =	sld [smem:$0x3FAD]  }
0x2c: {  	s7 =	sld [smem:$0x3FAE]  }
0x2d: {  	s3 =	simm.s32 $0x108;
	s8 =	sld [smem:$0x3FAF]  }
0x2e: {  	s3 =	simm.s32 @!p0 $0x1082;
	s9 =	sld [smem:$0x3FB0]  }
0x2f: {  	lr =	sadd.s32 s0, s3;
	s0 =	sld [smem:$0x3FA7]  }
0x30: {  	s3 =	sld [smem:$0x3FAA]  }
0x31: {  	[smem:$0x3FB3] =	sst s10  }
0x32: {  	s10 =	sld [smem:$0x3FB1];
	_ =	sdelay $0x3  }
0x33: {  	p0 =	seq.s32 s10, $0x1;
	s10 =	sld [smem:$0x3FB3];
	_ =	sdelay $0x3  }
0x34: {  	[smem:$0x3FB3] =	sst s10  }
0x35: {  	s10 =	sld [smem:$0x3FB2];
	_ =	sdelay $0x3  }
0x36: {  	p1 =	seq.s32 s10, $0x1;
	s10 =	sld [smem:$0x3FB3];
	_ =	sdelay $0x3  }
0x37: {  	[smem:$0x3FB3] =	sst s10  }
0x38: {  	s10 =	sld [smem:$0x3FB4]  }
0x39: {  	_ = 	snop;
	(pc) =	sbr.ind lr, $3  }
0x3a: {  	_ = 	snop  }
0x3b: {  	_ = 	snop  }
0x3c: {  	p2 =	seq.s32 s10, $0x1;
	s10 =	sld [smem:$0x3FB3]  }
0x3d: {  	_ =	shalt  }
0x3e: {  	_ =	shalt  }
0x3f: {  	_ =	shalt  }
0x40: {  	_ =	shalt  }
0x41: {  	_ =	shalt  }
0x42: {  	_ =	shalt  }
0x43: {  	_ =	shalt  }
0x44: {  	_ =	shalt  }
0x45: {  	_ =	shalt  }
0x46: {  	_ =	shalt  }
0x47: {  	_ =	shalt  }
0x48: {  	_ =	shalt  }
0x49: {  	_ =	shalt  }
0x4a: {  	_ =	shalt  }
0x4b: {  	_ =	shalt  }
0x4c: {  	_ =	shalt  }
0x4d: {  	_ =	shalt  }
0x4e: {  	_ =	shalt  }
0x4f: {  	_ =	shalt  }
0x50: {  	_ =	shalt  }
0x51: {  	_ =	shalt  }
0x52: {  	_ =	shalt  }
0x53: {  	_ =	shalt  }
0x54: {  	_ =	shalt  }
0x55: {  	_ =	shalt  }
0x56: {  	_ =	shalt  }
0x57: {  	_ =	shalt  }
0x58: {  	_ =	shalt  }
0x59: {  	_ =	shalt  }
0x5a: {  	_ =	shalt  }
0x5b: {  	_ =	shalt  }
0x5c: {  	_ =	shalt  }
0x5d: {  	_ =	shalt  }
0x5e: {  	_ =	shalt  }
0x5f: {  	_ =	shalt  }
0x60: {  	_ =	shalt  }
0x61: {  	_ =	shalt  }
0x62: {  	_ =	shalt  }
0x63: {  	_ =	shalt  }
0x64: {  	_ =	shalt  }
0x65: {  	_ =	shalt  }
0x66: {  	_ =	shalt  }
0x67: {  	_ =	shalt  }
0x68: {  	_ =	shalt  }
0x69: {  	_ =	shalt  }
0x6a: {  	_ =	shalt  }
0x6b: {  	_ =	shalt  }
0x6c: {  	_ =	shalt  }
0x6d: {  	_ =	shalt  }
0x6e: {  	_ =	shalt  }
0x6f: {  	_ =	shalt  }
0x70: {  	_ =	shalt  }
0x71: {  	_ =	shalt  }
0x72: {  	_ =	shalt  }
0x73: {  	_ =	shalt  }
0x74: {  	_ =	shalt  }
0x75: {  	_ =	shalt  }
0x76: {  	_ =	shalt  }
0x77: {  	_ =	shalt  }
0x78: {  	_ =	shalt  }
0x79: {  	_ =	shalt  }
0x7a: {  	_ =	shalt  }
0x7b: {  	_ =	shalt  }
0x7c: {  	_ =	shalt  }
0x7d: {  	_ =	shalt  }
0x7e: {  	_ =	shalt  }
0x7f: {  	_ =	shalt  }
0x80: {  	_ =	shalt  }
0x81: {  	_ =	shalt  }
0x82: {  	_ =	shalt  }
0x83: {  	_ =	shalt  }
0x84: {  	_ =	shalt  }
0x85: {  	_ =	shalt  }
0x86: {  	_ =	shalt  }
0x87: {  	_ =	shalt  }
.Lfunc_end0:
.L_simem_size_0:
called_computation.1_lowered:
.L_overlay_start_0:
0x88: {  	s2 =	sld [smem:$0x3FD9]  }
0x89: {  	s3 =	sld [smem:$0x3FFE];
	_ =	sdelay $0x1  }
0x8a: {  	s1 =	srdreg.scid  }
0x8b: {  	s0 =	sand.u32 $0x1, s1  }
0x8c: {  	s16 =	sshll.u32 s0, $0xA;
	s2 =	sadd.s32 s3, s2  }
0x8d: {  	s2 =	sadd.s32 s2, s16  }
0x8e: {  	[smem:$0x3FBF] =	sst s2  }
0x8f: {  	_ = 	snop  }
0x90: {  	(tm) =	ssettm $0x1  }
0x91: {  	s17 =	sld [smem:$0x3FFB];
	_ =	sdelay $0x3  }
0x92: {  	_ =	strace s17  }
0x93: {  	s2 =	sld [smem:$0x3FFC];
	_ =	sdelay $0x3  }
0x94: {  	_ =	strace s2  }
0x95: {  	s2 =	sld [smem:$0x3FFD];
	_ =	sdelay $0x3  }
0x96: {  	_ =	strace s2  }
0x97: {  	_ =	strace $0x8FFFFFFF  }
0x98: {  	s18 =	sld [smem:$0x3FDB];
	_ =	sdelay $0x1  }
0x99: {  	s19 =	simm.s32 $_scs_section_size  }
0x9a: {  	s4 =	simm.s32 $_size__tile_overlayer_lowered;
	s5 =	simm.s32 $_tile_overlayer_lowered  }
0x9b: {  	s22 =	simm.s32 $0x1BFF;
	s21 =	sshll.u32 s5, $0x1;
	s2 =	sadd.s32 s19, s18  }
0x9c: {  	s6 =	simm.s32 $0x0;
	s20 =	sshll.u32 s4, $0x1;
	s4 =	sadd.s32 s21, s2  }
0x9d: {  	[timem:s6], [sflag:s22] =	dma.local [hbm:s4], s20  }
0x9e: {  	_ =	swait.ge [sflag:s22], s20  }
0x9f: {  	s3 =	ssub.s32 $0x0, s20;
	[sflag:s22] =	ssyncset.done $0x0  }
0xa0: {  	[sflag:s22] =	ssyncadd.s32 s3;
	_ =	sdelay $0x1  }
0xa1: {  	s23 =	simm.s32 $0x1B8B  }
0xa2: {  	_ =	swait.ge [sflag:s23], $0x1  }
0xa3: {  	[sflag:s23] =	ssyncset.done $0x0  }
0xa4: {  	s25 =	simm.s32 $0x1B8E;
	s24 =	sld [smem:$0x3FFE];
	[sflag:s23] =	ssyncadd.s32 $0xFFFFFFFF  }
0xa5: {  	s26 =	simm.s32 $execute0_lowered;
	[smem:$0x3FD2] =	sst s25  }
0xa6: {  	s4 =	sshll.u32 s26, $0x1;
	_ =	strace $0x80000046;
	[dreg:$0x1] =	wrdreg $0xFFFFFFFF  }
0xa7: {  	s28 =	simm.s32 $_size_execute0_lowered;
	s2 =	sadd.s32 s2, s4;
	[dreg:$0x0] =	wrdreg $0x0  }
0xa8: {  	s4 =	sshll.u32 s28, $0x1;
	[dreg:$0x2] =	wrdreg s2  }
0xa9: {  	[dreg:$0x3] =	wrdreg s4  }
0xaa: {  	[dreg:$0x4] =	wrdreg $0xC0  }
0xab: {  	_ =	task [dreg:s6], $0x5FFFF  }
0xac: {  	[dreg:$0x1] =	wrdreg $0xFFFFFFFF  }
0xad: {  	[dreg:$0x0] =	wrdreg $0x60  }
0xae: {  	[dreg:$0x2] =	wrdreg s24  }
0xaf: {  	[dreg:$0x3] =	wrdreg $0xA5000  }
0xb0: {  	[dreg:$0x4] =	wrdreg $0x9  }
0xb1: {  	_ =	task.clear_ibuf [dreg:s6], $0x5FFFF;
	_ =	strace $0x90000046  }
0xb2: {  	s29 =	simm.s32 $0x9;
	_ =	strace $0x80000048  }
0xb3: {  	_ =	swait.ge [sflag:s29], $0x1  }
0xb4: {  	[sflag:s29] =	ssyncadd.s32 $0xFFFFFFFF  }
0xb5: {  	_ =	strace $0x90000048  }
0xb6: {  	_ =	sfence  }
0xb7: {  	s30 =	sld [smem:$0x0];
	_ =	sdelay $0x2  }
0xb8: {  	s31 =	sshll.u32 s1, $0xD;
	s1 =	sshrl.u32 s1, $0x2  }
0xb9: {  	s3 =	sand.u32 $0x4000, s31;
	s1 =	sadd.s32 s1, s30  }
0xba: {  	s0 =	sor.u32 s3, s0;
	s1 =	sshll.u32 s1, $0x11  }
0xbb: {  	s0 =	sor.u32 s1, s0  }
0xbc: {  	s0 =	sadd.s32 $0x8F2B, s0  }
0xbd: {  	[sflag:s0] =	ssyncadd.remote.s32 $0x1  }
0xbe: {  	_ =	sfence.sel $0xFFFF  }
0xbf: {  	[dreg:$0x0] =	wrdreg $0xFFFFFFFF;
	(pc) =	sbr.abs _section_cstart, $3  }
0xc0: {  	[dreg:$0x1] =	wrdreg $0xFFFFFFFF  }
0xc1: {  	_ =	task.clear_ibuf [dreg:s6], $0x2FFFF;
	_ =	strace $0x9FFFFFFF  }
0xc2: {  	(tm) =	ssettm $0x7FFFFFFF  }
0xc3: {  	_ =	shalt  }
tec
execute0_lowered:
.L_overlay_start_1:
0x0: {  	(tag) =	ssettag $0x1  }
0x1: {  	s4 =	rddreg [dreg:$0x0]  }
0x2: {  	s2 =	rddreg [dreg:$0x1];
	s5 =	srdreg.scid;
	s3 =	simm.s32 $0x0  }
0x3: {  	s0 =	stileid.u32;
	s23 =	simm.s32 $0x4100;
	s24 =	simm.s32 $0x2  }
0x4: {  	s25 =	simm.s32 $0x0;
	s5 =	sand.u32 $0x1, s5;
	s8 =	smul.u32 $0x19000, s0  }
0x5: {  	[smem:$0x7FF] =	sst s3;
	s6 =	sshll.u32 s0, $0x4;
	s7 =	smul.u32 $0x27100, s5  }
0x6: {  	s9 =	sor.u32 $0x10, s0;
	s21 =	sadd.s32 s6, s4;
	s6 =	smul.u32 $0xC80, s0  }
0x7: {  	s19 =	sadd.s32 $0x5A600, s4;
	s12 =	sor.u32 $0x20, s0;
	s11 =	smul.u32 $0x19000, s9  }
0x8: {  	s13 =	sshll.u32 s0, $0x6;
	s22 =	sor.u32 $0x30, s0;
	s9 =	smul.u32 $0xC80, s9  }
0x9: {  	_ =	strace $0x80000047;
	s5 =	ssub.s32 $0x2, s5;
	s15 =	smul.u32 $0x19000, s12  }
0xa: {  	s18 =	smul.u32 $0x19000, s22;
	p0 =	sgt.u32 s22, $0x31;
	s30 =	sshrl.u32 s5, $0x1  }
0xb: {  	s8 =	sshrl.u32 s8, $0x2;
	s20 =	sadd.s32 $0x2400, s21;
	s21 =	sadd.s32 $0x7400, s21  }
0xc: {  	s29 =	sadd.s32 s7, s4;
	s31 =	ssub.s32 s5, s30;
	s8 =	sadd.s32 s8, s2  }
0xd: {  	s10 =	sadd.s32 s19, s6;
	s14 =	sshrl.u32 s11, $0x2;
	s11 =	smul.u32 $0xC80, s12  }
0xe: {  	s12 =	sor.u32 $0x1C01, s13;
	s16 =	sshrl.u32 s15, $0x2;
	s15 =	smul.u32 $0xC80, s22  }
0xf: {  	s18 =	sshrl.u32 s18, $0x2;
	s22 =	simm.s32 $0x1;
	s4 =	sadd.s32 $0xC400, s29  }
0x10: {  	s5 =	sadd.s32 $0x81800, s29;
	s1 =	smax.u32 s31, $0x1;
	s13 =	sadd.s32 s14, s2  }
0x11: {  	s14 =	sadd.s32 s19, s9;
	s16 =	sadd.s32 s16, s2;
	s18 =	sadd.s32 s18, s2  }
0x12: {  	[dreg:$0x3] =	wrdreg s1;
	s17 =	sadd.s32 s19, s11;
	s19 =	sadd.s32 s19, s15  }
.LBB2_1:
0x13: {  	s26 =	sshrl.u32 s8, $0x3  }
0x14: {  	[spmem:s26], [sflag:s12] =	dma.local [hbm:s10], $0xC80  }
0x15: {  	_ =	swait.ge [sflag:s22], $0xC80  }
0x16: {  	[sflag:s22] =	ssyncset.done $0x0  }
0x17: {  	s7 =	sshrl.u32 s13, $0x3;
	[sflag:s22] =	ssyncadd.s32 $0xFFFFF380  }
0x18: {  	[spmem:s7], [sflag:s12] =	dma.local [hbm:s14], $0xC80  }
0x19: {  	_ =	swait.ge [sflag:s22], $0xC80  }
0x1a: {  	[sflag:s22] =	ssyncset.done $0x0  }
0x1b: {  	s31 =	sshrl.u32 s16, $0x3;
	[sflag:s22] =	ssyncadd.s32 $0xFFFFF380  }
0x1c: {  	[spmem:s31], [sflag:s12] =	dma.local [hbm:s17], $0xC80  }
0x1d: {  	_ =	swait.ge [sflag:s22], $0xC80  }
0x1e: {  	[sflag:s22] =	ssyncset.done $0x0  }
0x1f: {  	s26 =	sshrl.u32 @!p0 s18, $0x3;
	[sflag:s22] =	ssyncadd.s32 $0xFFFFF380  }
0x20: {  	[spmem:s26], [sflag:s12] =	dma.local @!p0 [hbm:s19], $0xC80  }
0x21: {  	s26 =	simm.s32 @!p0 $0x1  }
0x22: {  	s0 =	stileid.u32;
	_ =	swait.ge @!p0 [sflag:s26], $0xC80  }
0x23: {  	p1 =	sgt.u32 s0, $0x4E1;
	[sflag:s26] =	ssyncset.done @!p0 $0x0  }
0x24: {  	s28 =	simm.s32 @!p1 $0x0;
	[sflag:s26] =	ssyncadd.s32 @!p0 $0xFFFFF380  }
0x25: {  	s29 =	simm.s32 @!p1 $0x2;
	s26 =	sadd.s32 @!p1 $0x0, s21;
	[bflag:$0x0] =	sbarrier.arrive $0xFFFF  }
0x26: {  	[tilespmem:s28], [sflag:$0x2] =	stream.linear.gather @!p1 [hbm4b:s26+s28], $0x80, $0x38;
	[tilespmem:$0x1DD80] =	vst v63  }
0x27: {  	_ =	swait.ge @!p1 [sflag:s29], $0x80;
	p1 =	por p1, p1  }
0x28: {  	[sflag:s29] =	ssyncset.done @!p1 $0x0  }
0x29: {  	s26 =	sadd.s32 @!p1 $0x0, s20;
	s30 =	simm.s32 @!p1 $0x80;
	[sflag:s29] =	ssyncadd.s32 @!p1 $0xFFFFFF80  }
0x2a: {  	[tilespmem:s30], [sflag:$0x2] =	stream.linear.gather @!p1 [hbm4b:s26+s28], $0x80, $0x38;
	[tilespmem:$0x1DD80] =	vst v63  }
0x2b: {  	_ =	swait.ge @!p1 [sflag:s29], $0x80  }
0x2c: {  	[sflag:s29] =	ssyncset.done @!p1 $0x0  }
0x2d: {  	s26 =	simm.s32 @!p1 $0x100;
	[sflag:s29] =	ssyncadd.s32 @!p1 $0xFFFFFF80  }
0x2e: {  	[tilespmem:s26], [sflag:$0x2] =	stream.indirect.gather @!p1 [hbm4b:s4+s30], $0x80, s28, s30, $0xb8;
	[tilespmem:$0x1DD80] =	vst v63  }
0x2f: {  	_ =	swait.ge @!p1 [sflag:s29], $0x4000  }
0x30: {  	[sflag:s29] =	ssyncset.done @!p1 $0x0  }
0x31: {  	s28 =	sadd.s32 $0x10, s0;
	[sflag:s29] =	ssyncadd.s32 @!p1 $0xFFFFC000  }
0x32: {  	[spmem:s2] =	stream.indirect.scatter.add.f32 @!p1 [tilespmem:s26], [sflag:$0x1], $0x80, s30, s30, $0xb8;
	[tilespmem:$0x1DD80] =	vst v63  }
0x33: {  	p3 =	sgt.u32 s28, $0x4E1;
	s30 =	simm.s32 @!p1 $0x1  }
0x34: {  	s29 =	simm.s32 $0x200;
	s26 =	simm.s32 $0x100;
	_ =	swait.ge @!p1 [sflag:s30], $0x4000  }
.LBB2_2:
0x35: {  	s31 =	sadd.s32 @!p3 s26, s21  }
0x36: {  	s0 =	simm.s32 @!p3 $0x0;
	[sflag:s30] =	ssyncset.done @!p1 $0x0;
	s7 =	smov.u32 s29  }
0x37: {  	s29 =	sadd.s32 $0x100, s29;
	s1 =	simm.s32 @!p3 $0x2;
	[sflag:s30] =	ssyncadd.s32 @!p1 $0xFFFFC000  }
0x38: {  	[tilespmem:s0], [sflag:$0x2] =	stream.linear.gather @!p3 [hbm4b:s31+s0], $0x80, $0x38;
	[tilespmem:$0x1DD80] =	vst v63  }
0x39: {  	p2 =	sne.s32 s29, $0x4F00;
	p1 =	por p3, p3;
	_ =	swait.ge @!p3 [sflag:s1], $0x80  }
0x3a: {  	[sflag:s1] =	ssyncset.done @!p1 $0x0  }
0x3b: {  	s26 =	sadd.s32 @!p1 s26, s20;
	s31 =	simm.s32 @!p1 $0x80;
	[sflag:s1] =	ssyncadd.s32 @!p1 $0xFFFFFF80  }
0x3c: {  	[tilespmem:s31], [sflag:$0x2] =	stream.linear.gather @!p1 [hbm4b:s26+s0], $0x80, $0x38;
	[tilespmem:$0x1DD80] =	vst v63  }
0x3d: {  	s26 =	smov.u32 s7;
	_ =	swait.ge @!p1 [sflag:s1], $0x80  }
0x3e: {  	[sflag:s1] =	ssyncset.done @!p1 $0x0  }
0x3f: {  	s7 =	simm.s32 @!p1 $0x100;
	[sflag:s1] =	ssyncadd.s32 @!p1 $0xFFFFFF80  }
0x40: {  	[tilespmem:s7], [sflag:$0x2] =	stream.indirect.gather @!p1 [hbm4b:s4+s31], $0x80, s0, s31, $0xb8;
	[tilespmem:$0x1DD80] =	vst v63  }
.Ltmp0:
0x41: {  	_ =	swait.ge @!p1 [sflag:s1], $0x4000;
	(pc) =	sbr.rel @p2 .LBB2_2-.Ltmp0, $4  }
0x42: {  	[sflag:s1] =	ssyncset.done @!p1 $0x0  }
0x43: {  	s28 =	sadd.s32 $0x10, s28;
	s30 =	simm.s32 @!p1 $0x1;
	[sflag:s1] =	ssyncadd.s32 @!p1 $0xFFFFC000  }
0x44: {  	[spmem:s2] =	stream.indirect.scatter.add.f32 @!p1 [tilespmem:s7], [sflag:$0x1], $0x80, s31, s31, $0xb8;
	[tilespmem:$0x1DD80] =	vst v63  }
0x45: {  	p3 =	sgt.u32 s28, $0x4E1;
	_ =	swait.ge @!p1 [sflag:s30], $0x4000  }
0x46: {  	s0 =	sadd.s32 @!p3 s26, s21;
	[sflag:s30] =	ssyncset.done @!p1 $0x0  }
0x47: {  	s1 =	simm.s32 @!p3 $0x0;
	s7 =	simm.s32 @!p3 $0x2;
	[sflag:s30] =	ssyncadd.s32 @!p1 $0xFFFFC000  }
0x48: {  	[tilespmem:s1], [sflag:$0x2] =	stream.linear.gather @!p3 [hbm4b:s0+s1], $0x80, $0x38;
	[tilespmem:$0x1DD80] =	vst v63  }
0x49: {  	p1 =	por p3, p3;
	_ =	swait.ge @!p3 [sflag:s7], $0x80  }
0x4a: {  	[sflag:s7] =	ssyncset.done @!p1 $0x0  }
0x4b: {  	s0 =	sadd.s32 @!p1 s26, s20;
	s26 =	simm.s32 @!p1 $0x80;
	[sflag:s7] =	ssyncadd.s32 @!p1 $0xFFFFFF80  }
0x4c: {  	[tilespmem:s26], [sflag:$0x2] =	stream.linear.gather @!p1 [hbm4b:s0+s1], $0x80, $0x38;
	[tilespmem:$0x1DD80] =	vst v63  }
0x4d: {  	_ =	swait.ge @!p1 [sflag:s7], $0x80  }
0x4e: {  	[sflag:s7] =	ssyncset.done @!p1 $0x0  }
0x4f: {  	s0 =	simm.s32 @!p1 $0x100;
	[sflag:s7] =	ssyncadd.s32 @!p1 $0xFFFFFF80  }
0x50: {  	[tilespmem:s0], [sflag:$0x2] =	stream.indirect.gather @!p1 [hbm4b:s4+s26], $0x80, s1, s26, $0xb8;
	[tilespmem:$0x1DD80] =	vst v63  }
0x51: {  	_ =	swait.ge @!p1 [sflag:s7], $0x4000  }
0x52: {  	[sflag:s7] =	ssyncset.done @!p1 $0x0  }
0x53: {  	s1 =	simm.s32 @!p1 $0x1;
	[sflag:s7] =	ssyncadd.s32 @!p1 $0xFFFFC000  }
0x54: {  	[spmem:s2] =	stream.indirect.scatter.add.f32 @!p1 [tilespmem:s0], [sflag:$0x1], $0x80, s26, s26, $0xb8;
	[tilespmem:$0x1DD80] =	vst v63  }
0x55: {  	_ =	swait.ge @!p1 [sflag:s1], $0x4000  }
0x56: {  	[sflag:s1] =	ssyncset.done @!p1 $0x0  }
0x57: {  	[sflag:s1] =	ssyncadd.s32 @!p1 $0xFFFFC000  }
0x58: {  	[bflag:$0x0] =	sbarrier.arrive $0xFFFF  }
0x59: {  	[tilespmem:s23], [sflag:$0x2] =	stream.linear.gather [spmem:s8], $0x6400, $0x38;
	[tilespmem:$0x1DD80] =	vst v63  }
0x5a: {  	_ =	swait.ge [sflag:s24], $0x6400  }
0x5b: {  	[sflag:s24] =	ssyncset.done $0x0  }
0x5c: {  	s28 =	sadd.s32 s6, s5;
	[sflag:s24] =	ssyncadd.s32 $0xFFFF9C00  }
0x5d: {  	[hbm4b:s28+s3] =	stream.linear.scatter [tilespmem:s23], [sflag:$0x1], $0x6400, $0x38;
	[tilespmem:$0x1DD80] =	vst v63  }
0x5e: {  	_ =	swait.ge [sflag:s22], $0x6400  }
0x5f: {  	[sflag:s22] =	ssyncset.done $0x0  }
0x60: {  	[sflag:s22] =	ssyncadd.s32 $0xFFFF9C00  }
0x61: {  	[tilespmem:s23], [sflag:$0x2] =	stream.linear.gather [spmem:s13], $0x6400, $0x38;
	[tilespmem:$0x1DD80] =	vst v63  }
0x62: {  	_ =	swait.ge [sflag:s24], $0x6400  }
0x63: {  	[sflag:s24] =	ssyncset.done $0x0  }
0x64: {  	s29 =	sadd.s32 s9, s5;
	[sflag:s24] =	ssyncadd.s32 $0xFFFF9C00  }
0x65: {  	[hbm4b:s29+s3] =	stream.linear.scatter [tilespmem:s23], [sflag:$0x1], $0x6400, $0x38;
	[tilespmem:$0x1DD80] =	vst v63  }
0x66: {  	_ =	swait.ge [sflag:s22], $0x6400  }
0x67: {  	[sflag:s22] =	ssyncset.done $0x0  }
0x68: {  	[sflag:s22] =	ssyncadd.s32 $0xFFFF9C00  }
0x69: {  	[tilespmem:s23], [sflag:$0x2] =	stream.linear.gather [spmem:s16], $0x6400, $0x38;
	[tilespmem:$0x1DD80] =	vst v63  }
0x6a: {  	_ =	swait.ge [sflag:s24], $0x6400  }
0x6b: {  	[sflag:s24] =	ssyncset.done $0x0  }
0x6c: {  	s30 =	sadd.s32 s11, s5;
	[sflag:s24] =	ssyncadd.s32 $0xFFFF9C00  }
0x6d: {  	[hbm4b:s30+s3] =	stream.linear.scatter [tilespmem:s23], [sflag:$0x1], $0x6400, $0x38;
	[tilespmem:$0x1DD80] =	vst v63  }
0x6e: {  	_ =	swait.ge [sflag:s22], $0x6400  }
0x6f: {  	[sflag:s22] =	ssyncset.done $0x0  }
0x70: {  	s0 =	simm.s32 @!p0 $0x4100;
	s1 =	simm.s32 @!p0 $0x2;
	[sflag:s22] =	ssyncadd.s32 $0xFFFF9C00  }
0x71: {  	[tilespmem:s0], [sflag:$0x2] =	stream.linear.gather @!p0 [spmem:s18], $0x6400, $0x38;
	[tilespmem:$0x1DD80] =	vst v63  }
0x72: {  	_ =	swait.ge @!p0 [sflag:s1], $0x6400  }
0x73: {  	[sflag:s1] =	ssyncset.done @!p0 $0x0  }
0x74: {  	s7 =	simm.s32 @!p0 $0x0;
	[sflag:s1] =	ssyncadd.s32 @!p0 $0xFFFF9C00;
	s1 =	sadd.s32 @!p0 s15, s5  }
0x75: {  	[hbm4b:s1+s7] =	stream.linear.scatter @!p0 [tilespmem:s0], [sflag:$0x1], $0x6400, $0x38;
	[tilespmem:$0x1DD80] =	vst v63  }
0x76: {  	s0 =	simm.s32 @!p0 $0x1  }
0x77: {  	_ =	swait.ge @!p0 [sflag:s0], $0x6400  }
0x78: {  	s25 =	sadd.s32 $0x1, s25;
	s31 =	rddreg [dreg:$0x3]  }
0x79: {  	p1 =	sne.s32 s25, s31  }
.Ltmp1:
0x7a: {  	_ = 	snop;
	(pc) =	sbr.rel @p1 .LBB2_1-.Ltmp1, $3  }
0x7b: {  	_ =	sdelay $0x1  }
0x7c: {  	[sflag:s0] =	ssyncset.done @!p0 $0x0  }
0x7d: {  	[sflag:s0] =	ssyncadd.s32 @!p0 $0xFFFF9C00  }
0x7e: {  	_ =	sfence.sel $0x180000  }
0x7f: {  	[bflag:$0x0] =	sbarrier.arrive $0xFFFF  }
0x80: {  	_ =	strace $0x90000047  }
0x81: {  	s0 =	stileid.u32;
	[bflag:$0x2] =	sbarrier.arrive $0xFFFF  }
0x82: {  	p0 =	sne.s32 s0, $0x0;
	s0 =	rddreg [dreg:$0x2]  }
0x83: {  	s0 =	sadd.s32 @!p0 $0x100000, s0  }
0x84: {  	[sflag:s0] =	ssyncadd.tile.s32 @!p0 $0x1;
	_ =	shalt  }
.Lfunc_end2:
_tile_overlayer_lowered:
.L_overlay_start_2:
0x85: {  	(tag) =	ssettag $0x2  }
0x86: {  	s0 =	rddreg [dreg:$0x0];
	s2 =	stileid.u32  }
0x87: {  	s1 =	rddreg [dreg:$0x1];
	p0 =	sne.s32 s2, $0x0  }
0x88: {  	s3 =	rddreg [dreg:$0x2];
	[bflag:$0x3] =	sbarrier.arrive $0xFFFF;
	s2 =	simm.s32 @!p0 $0x1C01  }
0x89: {  	[timem:s3], [sflag:s2] =	dma.local @!p0 [hbm:s0], s1  }
0x8a: {  	s0 =	simm.s32 @!p0 $0x1  }
0x8b: {  	_ =	swait.ge @!p0 [sflag:s0], s1  }
0x8c: {  	s1 =	ssub.s32 @!p0 $0x0, s1;
	[sflag:s0] =	ssyncset.done @!p0 $0x0  }
0x8d: {  	[sflag:s0] =	ssyncadd.s32 @!p0 s1  }
0x8e: {  	[bflag:$0x3] =	sbarrier.arrive $0xFFFF  }
0x8f: {  	_ =	shalt  }

// kernel: kernel.8.cloned.1.call-start
scs
__scs_entry_jumppad:
0x0: {  	(pc) =	sbr.rel $0x88, $3  }
0x1: {  	(tag) =	ssettag $0x0;
	lr =	simm.s32 $0x1  }
0x2: {  	[smem:$0x3F98] =	sst lr;
	_ =	strace $0xD0000000  }
0x3: {  	_ = 	snop  }
0x4: {  	_ = 	snop  }
0x5: {  	_ = 	snop  }
0x6: {  	_ = 	snop  }
0x7: {  	_ = 	snop  }
__scs_overlays_trampoline_lowered:
0x8: {  	[smem:$0x3FA7] =	sst s0  }
0x9: {  	[smem:$0x3FA8] =	sst s1  }
0xa: {  	[smem:$0x3FA9] =	sst s2  }
0xb: {  	[smem:$0x3FAA] =	sst s3  }
0xc: {  	[smem:$0x3FAB] =	sst s4  }
0xd: {  	[smem:$0x3FAC] =	sst s5  }
0xe: {  	[smem:$0x3FAD] =	sst s6  }
0xf: {  	[smem:$0x3FAE] =	sst s7  }
0x10: {  	[smem:$0x3FAF] =	sst s8  }
0x11: {  	[smem:$0x3FB0] =	sst s9;
	s0 =	simm.s32 @!p0 $0x0  }
0x12: {  	s1 =	sld [smem:$0x3F96];
	s0 =	simm.s32 @p0 $0x1  }
0x13: {  	[smem:$0x3FB1] =	sst s0;
	s0 =	simm.s32 @!p1 $0x0  }
0x14: {  	s2 =	sld [smem:$0x3F95];
	s0 =	simm.s32 @p1 $0x1  }
0x15: {  	[smem:$0x3FB2] =	sst s0;
	s0 =	simm.s32 @!p2 $0x0  }
0x16: {  	s3 =	sld [smem:$0x3FDB];
	s0 =	simm.s32 @p2 $0x1  }
0x17: {  	s4 =	simm.s32 $0x1BF5;
	[smem:$0x3FB4] =	sst s0  }
0x18: {  	s0 =	sld [smem:$0x3F97];
	_ =	swait.ge [sflag:s4], $0x0  }
0x19: {  	s7 =	sld [smem:$0x3F98]  }
0x1a: {  	s8 =	sadd.s32 $0xFFFFE003, lr  }
0x1b: {  	s9 =	sadd.s32 $0xFFFFFEF7, lr;
	s5 =	simm.s32 $0xFFFFFFFF;
	p2 =	slt.u32 s8, $0xFFFFF086  }
0x1c: {  	p1 =	slt.u32 s9, $0xF7A;
	s5 =	simm.s32 @!p2 $0x0  }
0x1d: {  	s5 =	simm.s32 @p1 $0x1;
	p0 =	seq.s32 s7, s2  }
0x1e: {  	s7 =	smul.u32 @!p0 $0xF7A, s2;
	p2 =	seq.s32 @!p0 s5, $0x0  }
0x1f: {  	s9 =	smul.u32 $0xF7A, s1;
	s8 =	simm.s32 @!p0 $0x1BF5;
	p2 =	por !p2, p0  }
0x20: {  	[sflag:s8] =	ssyncset.s32 @!p0 $0xFFFFF086;
	s6 =	sadd.s32 @!p0 s3, s7;
	s7 =	simm.s32 @!p0 $0x108  }
0x21: {  	s3 =	sadd.s32 s3, s9;
	s6 =	sadd.s32 @!p0 $0x88, s6;
	s7 =	simm.s32 @p2 $0x1082  }
0x22: {  	[simem:s7], [sflag:s8] =	dma.local @!p0 [hbm:s6], $0xF7A  }
0x23: {  	s9 =	sor.u32 $0xD0000000, s2;
	s6 =	simm.s32 $0x108;
	_ =	swait.ge @!p0 [sflag:s8], $0x0  }
0x24: {  	s3 =	sadd.s32 $0x88, s3;
	s6 =	simm.s32 @!p1 $0x1082;
	[sflag:s4] =	ssyncset.s32 $0xFFFFF086  }
0x25: {  	[simem:s6], [sflag:s4] =	dma.local [hbm:s3], $0xF7A  }
0x26: {  	[smem:$0x3F98] =	sst s1;
	(tag) =	ssettag s2;
	_ =	strace s9  }
0x27: {  	s1 =	sld [smem:$0x3FA8]  }
0x28: {  	s2 =	sld [smem:$0x3FA9]  }
0x29: {  	s4 =	sld [smem:$0x3FAB]  }
0x2a: {  	p0 =	seq.s32 s5, $0x0;
	s5 =	sld [smem:$0x3FAC]  }
0x2b: {  	s6 =	sld [smem:$0x3FAD]  }
0x2c: {  	s7 =	sld [smem:$0x3FAE]  }
0x2d: {  	s3 =	simm.s32 $0x108;
	s8 =	sld [smem:$0x3FAF]  }
0x2e: {  	s3 =	simm.s32 @!p0 $0x1082;
	s9 =	sld [smem:$0x3FB0]  }
0x2f: {  	lr =	sadd.s32 s0, s3;
	s0 =	sld [smem:$0x3FA7]  }
0x30: {  	s3 =	sld [smem:$0x3FAA]  }
0x31: {  	[smem:$0x3FB3] =	sst s10  }
0x32: {  	s10 =	sld [smem:$0x3FB1];
	_ =	sdelay $0x3  }
0x33: {  	p0 =	seq.s32 s10, $0x1;
	s10 =	sld [smem:$0x3FB3];
	_ =	sdelay $0x3  }
0x34: {  	[smem:$0x3FB3] =	sst s10  }
0x35: {  	s10 =	sld [smem:$0x3FB2];
	_ =	sdelay $0x3  }
0x36: {  	p1 =	seq.s32 s10, $0x1;
	s10 =	sld [smem:$0x3FB3];
	_ =	sdelay $0x3  }
0x37: {  	[smem:$0x3FB3] =	sst s10  }
0x38: {  	s10 =	sld [smem:$0x3FB4]  }
0x39: {  	_ = 	snop;
	(pc) =	sbr.ind lr, $3  }
0x3a: {  	_ = 	snop  }
0x3b: {  	_ = 	snop  }
0x3c: {  	p2 =	seq.s32 s10, $0x1;
	s10 =	sld [smem:$0x3FB3]  }
0x3d: {  	_ =	shalt  }
0x3e: {  	_ =	shalt  }
0x3f: {  	_ =	shalt  }
0x40: {  	_ =	shalt  }
0x41: {  	_ =	shalt  }
0x42: {  	_ =	shalt  }
0x43: {  	_ =	shalt  }
0x44: {  	_ =	shalt  }
0x45: {  	_ =	shalt  }
0x46: {  	_ =	shalt  }
0x47: {  	_ =	shalt  }
0x48: {  	_ =	shalt  }
0x49: {  	_ =	shalt  }
0x4a: {  	_ =	shalt  }
0x4b: {  	_ =	shalt  }
0x4c: {  	_ =	shalt  }
0x4d: {  	_ =	shalt  }
0x4e: {  	_ =	shalt  }
0x4f: {  	_ =	shalt  }
0x50: {  	_ =	shalt  }
0x51: {  	_ =	shalt  }
0x52: {  	_ =	shalt  }
0x53: {  	_ =	shalt  }
0x54: {  	_ =	shalt  }
0x55: {  	_ =	shalt  }
0x56: {  	_ =	shalt  }
0x57: {  	_ =	shalt  }
0x58: {  	_ =	shalt  }
0x59: {  	_ =	shalt  }
0x5a: {  	_ =	shalt  }
0x5b: {  	_ =	shalt  }
0x5c: {  	_ =	shalt  }
0x5d: {  	_ =	shalt  }
0x5e: {  	_ =	shalt  }
0x5f: {  	_ =	shalt  }
0x60: {  	_ =	shalt  }
0x61: {  	_ =	shalt  }
0x62: {  	_ =	shalt  }
0x63: {  	_ =	shalt  }
0x64: {  	_ =	shalt  }
0x65: {  	_ =	shalt  }
0x66: {  	_ =	shalt  }
0x67: {  	_ =	shalt  }
0x68: {  	_ =	shalt  }
0x69: {  	_ =	shalt  }
0x6a: {  	_ =	shalt  }
0x6b: {  	_ =	shalt  }
0x6c: {  	_ =	shalt  }
0x6d: {  	_ =	shalt  }
0x6e: {  	_ =	shalt  }
0x6f: {  	_ =	shalt  }
0x70: {  	_ =	shalt  }
0x71: {  	_ =	shalt  }
0x72: {  	_ =	shalt  }
0x73: {  	_ =	shalt  }
0x74: {  	_ =	shalt  }
0x75: {  	_ =	shalt  }
0x76: {  	_ =	shalt  }
0x77: {  	_ =	shalt  }
0x78: {  	_ =	shalt  }
0x79: {  	_ =	shalt  }
0x7a: {  	_ =	shalt  }
0x7b: {  	_ =	shalt  }
0x7c: {  	_ =	shalt  }
0x7d: {  	_ =	shalt  }
0x7e: {  	_ =	shalt  }
0x7f: {  	_ =	shalt  }
0x80: {  	_ =	shalt  }
0x81: {  	_ =	shalt  }
0x82: {  	_ =	shalt  }
0x83: {  	_ =	shalt  }
0x84: {  	_ =	shalt  }
0x85: {  	_ =	shalt  }
0x86: {  	_ =	shalt  }
0x87: {  	_ =	shalt  }
.Lfunc_end0:
.L_simem_size_0:
called_computation.2_lowered:
.L_overlay_start_0:
0x88: {  	s2 =	sld [smem:$0x3FD9]  }
0x89: {  	s3 =	sld [smem:$0x3FFE];
	_ =	sdelay $0x1  }
0x8a: {  	s1 =	srdreg.scid  }
0x8b: {  	s0 =	sand.u32 $0x1, s1  }
0x8c: {  	s17 =	sshll.u32 s0, $0xA;
	s2 =	sadd.s32 s3, s2  }
0x8d: {  	s2 =	sadd.s32 s2, s17  }
0x8e: {  	[smem:$0x3FBF] =	sst s2  }
0x8f: {  	_ = 	snop  }
0x90: {  	s18 =	sld [smem:$0x3FC9];
	(tm) =	ssettm $0x1  }
0x91: {  	s19 =	sld [smem:$0x3FFB];
	_ =	sdelay $0x3  }
0x92: {  	_ =	strace s19  }
0x93: {  	s2 =	sld [smem:$0x3FFC];
	_ =	sdelay $0x3  }
0x94: {  	_ =	strace s2  }
0x95: {  	s2 =	sld [smem:$0x3FFD];
	_ =	sdelay $0x3  }
0x96: {  	_ =	strace s2  }
0x97: {  	_ =	strace $0x8FFFFFFF  }
0x98: {  	s20 =	sld [smem:$0x3FDB];
	_ =	sdelay $0x1  }
0x99: {  	s4 =	simm.s32 $_scs_section_size  }
0x9a: {  	s5 =	simm.s32 $_size__tile_overlayer_lowered;
	s6 =	simm.s32 $_tile_overlayer_lowered  }
0x9b: {  	s7 =	simm.s32 $0x1BFF;
	s21 =	sshll.u32 s6, $0x1;
	s4 =	sadd.s32 s4, s20  }
0x9c: {  	s22 =	simm.s32 $0x0;
	s5 =	sshll.u32 s5, $0x1;
	s6 =	sadd.s32 s21, s4  }
0x9d: {  	[timem:s22], [sflag:s7] =	dma.local [hbm:s6], s5  }
0x9e: {  	_ =	swait.ge [sflag:s7], s5  }
0x9f: {  	s5 =	ssub.s32 $0x0, s5;
	[sflag:s7] =	ssyncset.done $0x0  }
0xa0: {  	[sflag:s7] =	ssyncadd.s32 s5;
	_ =	sdelay $0x1  }
0xa1: {  	s23 =	simm.s32 $0x1B8B  }
0xa2: {  	_ =	swait.ge [sflag:s23], $0x1  }
0xa3: {  	[sflag:s23] =	ssyncset.done $0x0  }
0xa4: {  	[sflag:s23] =	ssyncadd.s32 $0xFFFFFFFF  }
0xa5: {  	s5 =	sld [smem:$0x0]  }
0xa6: {  	s6 =	sand.u32 $0xFFFFFFFE, s1  }
0xa7: {  	p0 =	sne.s32 s1, s6  }
0xa8: {  	s6 =	sshll.u32 @p0 s6, $0xE  }
0xa9: {  	s6 =	sadd.s32 @p0 $0x11B8D, s6;
	s7 =	sshll.u32 @p0 s5, $0x11  }
0xaa: {  	s6 =	sor.u32 @p0 s7, s6  }
0xab: {  	[sflag:s6] =	ssyncadd.remote.s32 @p0 $0x1;
	_ =	sdelay $0x1  }
0xac: {  	s6 =	simm.s32 @p0 $0x1B8D  }
0xad: {  	_ =	swait.eq @p0 [sflag:s6], $0x1  }
0xae: {  	[sflag:s6] =	ssyncadd.s32 @p0 $0xFFFFFFFF  }
0xaf: {  	s7 =	sshll.u32 @!p0 s1, $0xE  }
0xb0: {  	s7 =	sor.u32 @!p0 $0x4000, s7;
	s6 =	simm.s32 @!p0 $0x1B8D  }
0xb1: {  	s5 =	sshll.u32 @!p0 s5, $0x11;
	s7 =	sadd.s32 @!p0 $0x11B8D, s7;
	_ =	swait.eq @!p0 [sflag:s6], $0x1  }
0xb2: {  	s5 =	sor.u32 @!p0 s5, s7;
	[sflag:s6] =	ssyncadd.s32 @!p0 $0xFFFFFFFF  }
0xb3: {  	s25 =	simm.s32 $0x1B8E;
	s24 =	sld [smem:$0x3FFE];
	[sflag:s5] =	ssyncadd.remote.s32 @!p0 $0x1  }
0xb4: {  	s26 =	simm.s32 $execute0_lowered;
	[smem:$0x3FD2] =	sst s25  }
0xb5: {  	s6 =	sshll.u32 s26, $0x1;
	_ =	strace $0x80000049;
	[dreg:$0x1] =	wrdreg $0xFFFFFFFF  }
0xb6: {  	s28 =	simm.s32 $_size_execute0_lowered;
	s4 =	sadd.s32 s4, s6;
	[dreg:$0x0] =	wrdreg $0x0  }
0xb7: {  	s6 =	sshll.u32 s28, $0x1;
	[dreg:$0x2] =	wrdreg s4  }
0xb8: {  	[dreg:$0x3] =	wrdreg s6  }
0xb9: {  	[dreg:$0x4] =	wrdreg $0xC0  }
0xba: {  	_ =	task [dreg:s22], $0x5FFFF  }
0xbb: {  	[dreg:$0x1] =	wrdreg $0xFFFFFFFF  }
0xbc: {  	[dreg:$0x0] =	wrdreg $0x60  }
0xbd: {  	[dreg:$0x2] =	wrdreg s24  }
0xbe: {  	[dreg:$0x3] =	wrdreg s18  }
0xbf: {  	[dreg:$0x4] =	wrdreg $0xA  }
0xc0: {  	_ =	task.clear_ibuf [dreg:s22], $0x5FFFF;
	_ =	strace $0x90000049  }
0xc1: {  	s29 =	simm.s32 $0xA;
	_ =	strace $0x8000004B  }
0xc2: {  	_ =	swait.ge [sflag:s29], $0x1  }
0xc3: {  	[sflag:s29] =	ssyncadd.s32 $0xFFFFFFFF  }
0xc4: {  	_ =	strace $0x9000004B  }
0xc5: {  	_ =	sfence  }
0xc6: {  	s30 =	sld [smem:$0x0];
	_ =	sdelay $0x2  }
0xc7: {  	s31 =	sshll.u32 s1, $0xD;
	s1 =	sshrl.u32 s1, $0x2  }
0xc8: {  	s4 =	sand.u32 $0x4000, s31;
	s1 =	sadd.s32 s1, s30  }
0xc9: {  	s0 =	sor.u32 s4, s0;
	s1 =	sshll.u32 s1, $0x11  }
0xca: {  	s0 =	sor.u32 s1, s0  }
0xcb: {  	s0 =	sadd.s32 $0x8F2B, s0  }
0xcc: {  	[sflag:s0] =	ssyncadd.remote.s32 $0x1  }
0xcd: {  	_ =	sfence.sel $0xFFFF  }
0xce: {  	[dreg:$0x0] =	wrdreg $0xFFFFFFFF;
	(pc) =	sbr.abs _section_cstart, $3  }
0xcf: {  	[dreg:$0x1] =	wrdreg $0xFFFFFFFF  }
0xd0: {  	_ =	task.clear_ibuf [dreg:s22], $0x2FFFF;
	_ =	strace $0x9FFFFFFF  }
0xd1: {  	(tm) =	ssettm $0x7FFFFFFF  }
tec
execute0_lowered:
.L_overlay_start_1:
0x0: {  	(tag) =	ssettag $0x1  }
0x1: {  	s0 =	srdreg.scid  }
0x2: {  	s2 =	rddreg [dreg:$0x0];
	s3 =	sand.u32 $0x1, s0  }
0x3: {  	s7 =	rddreg [dreg:$0x1];
	s1 =	simm.s32 $0x0;
	s4 =	smul.u32 $0x7D00, s3  }
0x4: {  	[smem:$0x7FF] =	sst s1;
	s5 =	smul.u32 $0x27100, s3  }
0x5: {  	s0 =	rddreg [dreg:$0x2];
	_ =	strace $0x8000004A;
	s3 =	ssub.s32 $0x2, s3  }
0x6: {  	s6 =	sshrl.u32 s3, $0x1;
	s4 =	sadd.s32 s4, s2;
	s5 =	sadd.s32 s5, s2  }
0x7: {  	s2 =	stileid.u32;
	s6 =	ssub.s32 s3, s6;
	s3 =	sadd.s32 $0xCFA00, s4  }
0x8: {  	s4 =	sadd.s32 $0xDF400, s5;
	s5 =	sadd.s32 $0x4E0, s7;
	s8 =	sshll.u32 s2, $0x4  }
0x9: {  	s6 =	smax.u32 s6, $0x1;
	s7 =	sadd.s32 s8, s7;
	s8 =	sshll.u32 s2, $0xB  }
.LBB2_1:
0xa: {  	p1 =	sgt.u32 s2, $0x4D  }
0xb: {  	s9 =	sadd.s32 @!p1 $0x0, s7;
	s10 =	simm.s32 @!p1 $0x0;
	s11 =	simm.s32 @!p1 $0x2  }
0xc: {  	[tilespmem:s10], [sflag:$0x2] =	stream.linear.gather @!p1 [hbm4b:s9+s10], $0x80, $0x38;
	[tilespmem:$0x4900] =	vst v63  }
0xd: {  	_ =	swait.ge @!p1 [sflag:s11], $0x80  }
0xe: {  	[sflag:s11] =	ssyncset.done @!p1 $0x0  }
0xf: {  	s9 =	simm.s32 @!p1 $0x80;
	[sflag:s11] =	ssyncadd.s32 @!p1 $0xFFFFFF80  }
0x10: {  	[tilespmem:s9], [sflag:$0x2] =	stream.indirect.gather @!p1 [hbm4b:s3+s9], $0x80, s10, s9, $0xb8;
	[tilespmem:$0x4900] =	vst v63  }
0x11: {  	_ =	swait.ge @!p1 [sflag:s11], $0x4000  }
0x12: {  	[sflag:s11] =	ssyncset.done @!p1 $0x0  }
0x13: {  	s12 =	sadd.s32 @!p1 s8, s4;
	[sflag:s11] =	ssyncadd.s32 @!p1 $0xFFFFC000  }
0x14: {  	[hbm4b:s12+s10] =	stream.linear.scatter @!p1 [tilespmem:s9], [sflag:$0x2], $0x4000, $0x38;
	[tilespmem:$0x4900] =	vst v63  }
0x15: {  	p0 =	sne.s32 s2, $0x4E;
	_ =	swait.ge @!p1 [sflag:s11], $0x4000  }
0x16: {  	s9 =	simm.s32 @!p0 $0x0;
	[sflag:s11] =	ssyncset.done @!p1 $0x0  }
0x17: {  	s10 =	simm.s32 @!p0 $0x4080;
	[sflag:s11] =	ssyncadd.s32 @!p1 $0xFFFFC000;
	s11 =	simm.s32 @!p0 $0x2  }
0x18: {  	[tilespmem:s10], [sflag:$0x2] =	stream.linear.gather @!p0 [hbm4b:s5+s9], $0x10, $0x38;
	[tilespmem:$0x4900] =	vst v63  }
0x19: {  	_ =	swait.ge @!p0 [sflag:s11], $0x10  }
0x1a: {  	[sflag:s11] =	ssyncset.done @!p0 $0x0  }
0x1b: {  	s13 =	simm.s32 @!p0 $0x4100;
	s12 =	simm.s32 @!p0 $0x10;
	[sflag:s11] =	ssyncadd.s32 @!p0 $0xFFFFFFF0  }
0x1c: {  	[tilespmem:s13], [sflag:$0x2] =	stream.indirect.gather @!p0 [hbm4b:s3+s12], $0x80, s10, s12, $0xb8;
	[tilespmem:$0x4900] =	vst v63  }
0x1d: {  	_ =	swait.ge @!p0 [sflag:s11], $0x800  }
0x1e: {  	[sflag:s11] =	ssyncset.done @!p0 $0x0  }
0x1f: {  	s10 =	sadd.s32 @!p0 $0x27000, s4;
	[sflag:s11] =	ssyncadd.s32 @!p0 $0xFFFFF800  }
0x20: {  	[hbm4b:s10+s9] =	stream.linear.scatter @!p0 [tilespmem:s13], [sflag:$0x1], $0x800, $0x38;
	[tilespmem:$0x4900] =	vst v63  }
0x21: {  	s12 =	simm.s32 $0x100;
	s11 =	simm.s32 $0x200;
	s13 =	simm.s32 @!p0 $0x1  }
0x22: {  	s10 =	sadd.s32 $0x8000, s8;
	s9 =	sadd.s32 $0x10, s2;
	_ =	swait.ge @!p0 [sflag:s13], $0x800  }
.LBB2_2:
0x23: {  	p2 =	sgt.u32 s9, $0x4D  }
0x24: {  	[sflag:s13] =	ssyncset.done @!p0 $0x0;
	s14 =	smov.u32 s11;
	s11 =	sadd.s32 $0x100, s11  }
0x25: {  	s15 =	sadd.s32 @!p2 s12, s7;
	s16 =	simm.s32 @!p2 $0x0;
	s17 =	simm.s32 @!p2 $0x2  }
0x26: {  	p1 =	sne.s32 s11, $0x500;
	s12 =	smov.u32 s14;
	[sflag:s13] =	ssyncadd.s32 @!p0 $0xFFFFF800  }
0x27: {  	[tilespmem:s16], [sflag:$0x2] =	stream.linear.gather @!p2 [hbm4b:s15+s16], $0x80, $0x38;
	[tilespmem:$0x4900] =	vst v63  }
0x28: {  	_ =	swait.ge @!p2 [sflag:s17], $0x80  }
0x29: {  	s13 =	simm.s32 @!p2 $0x80;
	[sflag:s17] =	ssyncset.done @!p2 $0x0  }
0x2a: {  	[sflag:s17] =	ssyncadd.s32 @!p2 $0xFFFFFF80  }
0x2b: {  	[tilespmem:s13], [sflag:$0x2] =	stream.indirect.gather @!p2 [hbm4b:s3+s13], $0x80, s16, s13, $0xb8;
	[tilespmem:$0x4900] =	vst v63  }
0x2c: {  	_ =	swait.ge @!p2 [sflag:s17], $0x4000  }
0x2d: {  	s14 =	sadd.s32 @!p2 s10, s4;
	[sflag:s17] =	ssyncset.done @!p2 $0x0  }
0x2e: {  	[sflag:s17] =	ssyncadd.s32 @!p2 $0xFFFFC000  }
0x2f: {  	[hbm4b:s14+s16] =	stream.linear.scatter @!p2 [tilespmem:s13], [sflag:$0x2], $0x4000, $0x38;
	[tilespmem:$0x4900] =	vst v63  }
0x30: {  	p0 =	sne.s32 s9, $0x4E;
	_ =	swait.ge @!p2 [sflag:s17], $0x4000  }
0x31: {  	s14 =	simm.s32 @!p0 $0x0;
	s13 =	simm.s32 @!p0 $0x4080;
	[sflag:s17] =	ssyncset.done @!p2 $0x0  }
0x32: {  	s15 =	simm.s32 @!p0 $0x2;
	[sflag:s17] =	ssyncadd.s32 @!p2 $0xFFFFC000  }
0x33: {  	[tilespmem:s13], [sflag:$0x2] =	stream.linear.gather @!p0 [hbm4b:s5+s14], $0x10, $0x38;
	[tilespmem:$0x4900] =	vst v63  }
0x34: {  	_ =	swait.ge @!p0 [sflag:s15], $0x10  }
0x35: {  	s16 =	simm.s32 @!p0 $0x10;
	s17 =	simm.s32 @!p0 $0x4100;
	[sflag:s15] =	ssyncset.done @!p0 $0x0  }
0x36: {  	[sflag:s15] =	ssyncadd.s32 @!p0 $0xFFFFFFF0  }
0x37: {  	[tilespmem:s17], [sflag:$0x2] =	stream.indirect.gather @!p0 [hbm4b:s3+s16], $0x80, s13, s16, $0xb8;
	[tilespmem:$0x4900] =	vst v63  }
.Ltmp0:
0x38: {  	_ =	swait.ge @!p0 [sflag:s15], $0x800;
	(pc) =	sbr.rel @p1 .LBB2_2-.Ltmp0, $4  }
0x39: {  	s16 =	sadd.s32 @!p0 $0x27000, s4;
	[sflag:s15] =	ssyncset.done @!p0 $0x0  }
0x3a: {  	s13 =	simm.s32 @!p0 $0x1;
	[sflag:s15] =	ssyncadd.s32 @!p0 $0xFFFFF800  }
0x3b: {  	[hbm4b:s16+s14] =	stream.linear.scatter @!p0 [tilespmem:s17], [sflag:$0x1], $0x800, $0x38;
	[tilespmem:$0x4900] =	vst v63  }
0x3c: {  	s10 =	sadd.s32 $0x8000, s10;
	s9 =	sadd.s32 $0x10, s9;
	_ =	swait.ge @!p0 [sflag:s13], $0x800  }
0x3d: {  	p1 =	sgt.u32 s9, $0x4D  }
0x3e: {  	[sflag:s13] =	ssyncset.done @!p0 $0x0;
	s11 =	sadd.s32 @!p1 s12, s7  }
0x3f: {  	s12 =	simm.s32 @!p1 $0x0;
	s14 =	simm.s32 @!p1 $0x2;
	[sflag:s13] =	ssyncadd.s32 @!p0 $0xFFFFF800  }
0x40: {  	[tilespmem:s12], [sflag:$0x2] =	stream.linear.gather @!p1 [hbm4b:s11+s12], $0x80, $0x38;
	[tilespmem:$0x4900] =	vst v63  }
0x41: {  	_ =	swait.ge @!p1 [sflag:s14], $0x80  }
0x42: {  	[sflag:s14] =	ssyncset.done @!p1 $0x0  }
0x43: {  	s11 =	simm.s32 @!p1 $0x80;
	[sflag:s14] =	ssyncadd.s32 @!p1 $0xFFFFFF80  }
0x44: {  	[tilespmem:s11], [sflag:$0x2] =	stream.indirect.gather @!p1 [hbm4b:s3+s11], $0x80, s12, s11, $0xb8;
	[tilespmem:$0x4900] =	vst v63  }
0x45: {  	_ =	swait.ge @!p1 [sflag:s14], $0x4000  }
0x46: {  	[sflag:s14] =	ssyncset.done @!p1 $0x0  }
0x47: {  	s10 =	sadd.s32 @!p1 s10, s4;
	[sflag:s14] =	ssyncadd.s32 @!p1 $0xFFFFC000  }
0x48: {  	[hbm4b:s10+s12] =	stream.linear.scatter @!p1 [tilespmem:s11], [sflag:$0x2], $0x4000, $0x38;
	[tilespmem:$0x4900] =	vst v63  }
0x49: {  	p0 =	sne.s32 s9, $0x4E;
	_ =	swait.ge @!p1 [sflag:s14], $0x4000  }
0x4a: {  	s9 =	simm.s32 @!p0 $0x0;
	[sflag:s14] =	ssyncset.done @!p1 $0x0  }
0x4b: {  	s10 =	simm.s32 @!p0 $0x4080;
	s11 =	simm.s32 @!p0 $0x2;
	[sflag:s14] =	ssyncadd.s32 @!p1 $0xFFFFC000  }
0x4c: {  	[tilespmem:s10], [sflag:$0x2] =	stream.linear.gather @!p0 [hbm4b:s5+s9], $0x10, $0x38;
	[tilespmem:$0x4900] =	vst v63  }
0x4d: {  	_ =	swait.ge @!p0 [sflag:s11], $0x10  }
0x4e: {  	[sflag:s11] =	ssyncset.done @!p0 $0x0  }
0x4f: {  	s13 =	simm.s32 @!p0 $0x4100;
	s12 =	simm.s32 @!p0 $0x10;
	[sflag:s11] =	ssyncadd.s32 @!p0 $0xFFFFFFF0  }
0x50: {  	[tilespmem:s13], [sflag:$0x2] =	stream.indirect.gather @!p0 [hbm4b:s3+s12], $0x80, s10, s12, $0xb8;
	[tilespmem:$0x4900] =	vst v63  }
0x51: {  	s1 =	sadd.s32 $0x1, s1;
	_ =	swait.ge @!p0 [sflag:s11], $0x800  }
0x52: {  	p1 =	sne.s32 s1, s6;
	s10 =	sadd.s32 @!p0 $0x27000, s4;
	[sflag:s11] =	ssyncset.done @!p0 $0x0  }
.Ltmp1:
0x53: {  	[sflag:s11] =	ssyncadd.s32 @!p0 $0xFFFFF800;
	s11 =	simm.s32 @!p0 $0x1;
	(pc) =	sbr.rel @p1 .LBB2_1-.Ltmp1, $4  }
0x54: {  	[hbm4b:s10+s9] =	stream.linear.scatter @!p0 [tilespmem:s13], [sflag:$0x1], $0x800, $0x38;
	[tilespmem:$0x4900] =	vst v63  }
0x55: {  	_ =	swait.ge @!p0 [sflag:s11], $0x800  }
0x56: {  	[sflag:s11] =	ssyncset.done @!p0 $0x0  }
0x57: {  	[sflag:s11] =	ssyncadd.s32 @!p0 $0xFFFFF800  }
0x58: {  	_ =	sfence.sel $0x180000  }
0x59: {  	[bflag:$0x0] =	sbarrier.arrive $0xFFFF  }
0x5a: {  	p0 =	sne.s32 s2, $0x0;
	_ =	strace $0x9000004A  }
0x5b: {  	s0 =	sadd.s32 @!p0 $0x100000, s0;
	[bflag:$0x2] =	sbarrier.arrive $0xFFFF  }
0x5c: {  	[sflag:s0] =	ssyncadd.tile.s32 @!p0 $0x1;
	_ =	shalt  }
.Lfunc_end2:
_tile_overlayer_lowered:
.L_overlay_start_2:
0x5d: {  	(tag) =	ssettag $0x2  }
0x5e: {  	s0 =	rddreg [dreg:$0x0];
	s2 =	stileid.u32  }
0x5f: {  	s1 =	rddreg [dreg:$0x1];
	p0 =	sne.s32 s2, $0x0  }
0x60: {  	s3 =	rddreg [dreg:$0x2];
	[bflag:$0x3] =	sbarrier.arrive $0xFFFF;
	s2 =	simm.s32 @!p0 $0x1C01  }
0x61: {  	[timem:s3], [sflag:s2] =	dma.local @!p0 [hbm:s0], s1  }
0x62: {  	s0 =	simm.s32 @!p0 $0x1  }
0x63: {  	_ =	swait.ge @!p0 [sflag:s0], s1  }
0x64: {  	s1 =	ssub.s32 @!p0 $0x0, s1;
	[sflag:s0] =	ssyncset.done @!p0 $0x0  }
0x65: {  	[sflag:s0] =	ssyncadd.s32 @!p0 s1  }
0x66: {  	[bflag:$0x3] =	sbarrier.arrive $0xFFFF  }
0x67: {  	_ =	shalt  }

</sc_bundles>
